<compile_context>
chip_gen: v7x
topology: tpu7x:2x2x1
jax: 0.10.2.dev20260603
libtpu: 0.0.44.dev20260713+nightly
codegen_flags: <defaults>
</compile_context>

<pallas_src>
import functools

import jax
import jax.numpy as jnp
from jax import lax
from jax.experimental import pallas as pl
from jax.experimental.pallas import tpu as pltpu
from jax.experimental.pallas import tpu_sc as plsc

B = 16384
D = 64
FU = 16
FI = 16
NROWS = 1000000
PROWS = NROWS // 2

_info = plsc.get_sparse_core_info()
_NC, _NS = _info.num_cores, _info.num_subcores
_NW = _NC * _NS
_BPW = B // _NW
_CHUNK = 128

_mesh = plsc.VectorSubcoreMesh(core_axis_name="c", subcore_axis_name="s")



_PC = 2048
_NG = (NROWS + 4 * _PC - 1) // (4 * _PC)
_LAST = (NROWS + _PC - 1) // _PC - 1


def _project_body(t0, t1, t2, t3, we, out):
    dn = (((0,), (0,)), ((), ()))

    def mm(t):
        return lax.dot_general(t[...], we[...], dn,
                               preferred_element_type=jnp.float32)

    def b16(x):
        return lax.bitcast_convert_type(
            x.astype(jnp.bfloat16), jnp.uint16).astype(jnp.uint32)

    x = b16(jnp.concatenate([mm(t0), mm(t1)], axis=1))
    y = b16(jnp.concatenate([mm(t2), mm(t3)], axis=1))
    out[...] = lax.bitcast_convert_type(x | (y << 16), jnp.float32)


def _project(table_t, we):
    def spec(k):
        return pl.BlockSpec(
            (D, _PC), lambda i: (0, jnp.minimum(4 * i + k, _LAST)))

    return pl.pallas_call(
        _project_body,
        grid=(_NG,),
        in_specs=[spec(0), spec(1), spec(2), spec(3),
                  pl.BlockSpec((D, D), lambda i: (0, 0))],
        out_specs=pl.BlockSpec((_PC, 2 * D), lambda i: (i, 0)),
        out_shape=jax.ShapeDtypeStruct((_NG * _PC, 2 * D), jnp.float32),
    )(table_t, table_t, table_t, table_t, we)



@functools.partial(
    pl.kernel,
    mesh=_mesh,
    compiler_params=pltpu.CompilerParams(use_tc_tiling_on_sc=True),
    out_type=jax.ShapeDtypeStruct((B, 2 * D), jnp.float32),
    scratch_types=[
        pltpu.VMEM((_BPW,), jnp.int32),
        pltpu.VMEM((_BPW, 2 * D), jnp.float32),
        pltpu.SemaphoreType.DMA,
    ],
)
def _sc_gather(tbl_hbm, id_hbm, out_hbm, ids_v, rows_v, sem):
    wid = lax.axis_index("s") * _NC + lax.axis_index("c")
    base = wid * _BPW
    pltpu.sync_copy(id_hbm.at[pl.ds(base, _BPW)], ids_v)
    descs = []
    for k in range(0, _BPW, _CHUNK):
        descs.append(pltpu.async_copy(
            tbl_hbm.at[ids_v.at[pl.ds(k, _CHUNK)]],
            rows_v.at[pl.ds(k, _CHUNK)], sem))
    for d in descs:
        d.wait()
    pltpu.sync_copy(rows_v, out_hbm.at[pl.ds(base, _BPW)])



def _tail_body(up, uf, usub, upar, ip, if_, isub, ipar, wuf, bu, wif, bi,
               gu, betau, gi, betai, uo, io):
    def tower(packed, sub, par, feats, wf, b, g, beta, out):
        u = lax.bitcast_convert_type(packed[...], jnp.uint32)
        sel = jnp.where(sub[...] > 0, u >> 16, u & jnp.uint32(0xFFFF))
        row = lax.bitcast_convert_type(
            sel.astype(jnp.uint16), jnp.bfloat16).astype(jnp.float32)
        x = (jnp.where(par[...] > 0, row[:, D:], row[:, :D])
             + jnp.dot(feats[...], wf[...], preferred_element_type=jnp.float32)
             + b[...])
        mu = jnp.mean(x, axis=-1, keepdims=True)
        xc = x - mu
        var = jnp.mean(xc * xc, axis=-1, keepdims=True)
        out[...] = xc * lax.rsqrt(var + 1e-5) * g[...] + beta[...]

    tower(up, usub[...], upar[...], uf, wuf, bu, gu, betau, uo)
    tower(ip, isub[...], ipar[...], if_, wif, bi, gi, betai, io)


_BLK = 2048


def _tail(u_pairs, u_sub, u_par, u_feats, i_pairs, i_sub, i_par, i_feats,
          Wuf, bu, Wif, bi, gu, beta_u, gi, beta_i):
    grid = (B // _BLK,)
    pair_spec = pl.BlockSpec((_BLK, 2 * D), lambda i: (i, 0))
    par_spec = pl.BlockSpec((_BLK, 1), lambda i: (i, 0))
    row_spec = pl.BlockSpec((_BLK, D), lambda i: (i, 0))
    ufeat_spec = pl.BlockSpec((_BLK, FU), lambda i: (i, 0))
    ifeat_spec = pl.BlockSpec((_BLK, FI), lambda i: (i, 0))
    full = lambda shape: pl.BlockSpec(shape, lambda i: (0, 0))
    return pl.pallas_call(
        _tail_body,
        grid=grid,
        in_specs=[
            pair_spec, ufeat_spec, par_spec, par_spec,
            pair_spec, ifeat_spec, par_spec, par_spec,
            full((FU, D)), full((1, D)),
            full((FI, D)), full((1, D)),
            full((1, D)), full((1, D)), full((1, D)), full((1, D)),
        ],
        out_specs=[row_spec, row_spec],
        out_shape=[
            jax.ShapeDtypeStruct((B, D), jnp.float32),
            jax.ShapeDtypeStruct((B, D), jnp.float32),
        ],
    )(u_pairs, u_feats, u_sub, u_par, i_pairs, i_feats, i_sub, i_par,
      Wuf, bu, Wif, bi, gu, beta_u, gi, beta_i)


def kernel(user_ids, item_ids, user_feats, item_feats, user_table, item_table,
           Wu, bu, Wi, bi, gu, beta_u, gi, beta_i):
    uid = user_ids.astype(jnp.int32)
    iid = item_ids.astype(jnp.int32)
    pu = _project(user_table.T, Wu[:D])
    pi = _project(item_table.T, Wi[:D])
    u_row = ((uid >> 13) << 11) | (uid & (_PC - 1))
    i_row = ((iid >> 13) << 11) | (iid & (_PC - 1))
    u_pairs = _sc_gather(pu, u_row)
    i_pairs = _sc_gather(pi, i_row)
    u_sub = ((uid >> 12) & 1).reshape(B, 1)
    i_sub = ((iid >> 12) & 1).reshape(B, 1)
    u_par = ((uid >> 11) & 1).reshape(B, 1)
    i_par = ((iid >> 11) & 1).reshape(B, 1)
    return _tail(
        u_pairs, u_sub, u_par, user_feats,
        i_pairs, i_sub, i_par, item_feats,
        Wu[D:], bu.reshape(1, D),
        Wi[D:], bi.reshape(1, D),
        gu.reshape(1, D), beta_u.reshape(1, D),
        gi.reshape(1, D), beta_i.reshape(1, D),
    )

# --- scband reference (transcript-rebuilt; emitter-appended) ---
"""Pipeline reference for scband-two-tower-model-89249420410953 (READ-ONLY COPY).

The authoritative reference and input builder live on the scoring server;
editing this copy changes nothing except your own understanding.
"""

import jax, jax.numpy as jnp
import numpy as np

B = 16384
NUM_USERS = 1000000
NUM_ITEMS = 1000000
D = 64
FU = 16
FI = 16


def _layer_norm(x, gamma, beta, eps=1e-5):
    mu = jnp.mean(x, axis=-1, keepdims=True)
    var = jnp.mean((x - mu) ** 2, axis=-1, keepdims=True)
    return (x - mu) / jnp.sqrt(var + eps) * gamma + beta


def setup_inputs(seed: int = 0) -> dict:
    key = jax.random.key(seed)
    ks = jax.random.split(key, 12)
    user_ids = jax.random.randint(ks[0], (B,), 0, NUM_USERS)
    item_ids = jax.random.randint(ks[1], (B,), 0, NUM_ITEMS)
    user_feats = jax.random.normal(ks[2], (B, FU), dtype=jnp.float32)
    item_feats = jax.random.normal(ks[3], (B, FI), dtype=jnp.float32)
    user_table = jax.random.normal(ks[4], (NUM_USERS + 1, D), dtype=jnp.float32) * 0.02
    item_table = jax.random.normal(ks[5], (NUM_ITEMS + 1, D), dtype=jnp.float32) * 0.02
    Wu = jax.random.normal(ks[6], (D + FU, D), dtype=jnp.float32) * (1.0 / np.sqrt(D + FU))
    bu = jnp.zeros((D,), dtype=jnp.float32)
    Wi = jax.random.normal(ks[7], (D + FI, D), dtype=jnp.float32) * (1.0 / np.sqrt(D + FI))
    bi = jnp.zeros((D,), dtype=jnp.float32)
    gu = jnp.ones((D,), dtype=jnp.float32)
    beta_u = jnp.zeros((D,), dtype=jnp.float32)
    gi = jnp.ones((D,), dtype=jnp.float32)
    beta_i = jnp.zeros((D,), dtype=jnp.float32)
    return {
        "user_ids": user_ids,
        "item_ids": item_ids,
        "user_feats": user_feats,
        "item_feats": item_feats,
        "user_table": user_table,
        "item_table": item_table,
        "Wu": Wu,
        "bu": bu,
        "Wi": Wi,
        "bi": bi,
        "gu": gu,
        "beta_u": beta_u,
        "gi": gi,
        "beta_i": beta_i,
    }


def reference(user_ids, item_ids, user_feats, item_feats, user_table, item_table,
              Wu, bu, Wi, bi, gu, beta_u, gi, beta_i):
    u_emb = jnp.take(user_table, user_ids, axis=0)
    i_emb = jnp.take(item_table, item_ids, axis=0)
    u_emb = jnp.concatenate([u_emb, user_feats], axis=1)
    i_emb = jnp.concatenate([i_emb, item_feats], axis=1)
    u_emb = u_emb @ Wu + bu
    i_emb = i_emb @ Wi + bi
    u_emb = _layer_norm(u_emb, gu, beta_u)
    i_emb = _layer_norm(i_emb, gi, beta_i)
    return (u_emb, i_emb)

if __name__ == "__main__":
    import jax
    _d = setup_inputs()
    print(jax.jit(kernel)(*tuple(_d.values())))

</pallas_src>

<mosaic_0001>
#map = affine_map<(d0, d1) -> (0, 0)>
#map1 = affine_map<(d0, d1) -> (0)>
module attributes {stable_mosaic.version = 14 : i64} {
  func.func @_sc_gather(%arg0: i32, %arg1: i32, %arg2: memref<251904x128xf32, #tpu.memory_space<hbm>>, %arg3: memref<16384xi32, #tpu.memory_space<hbm>>, %arg4: memref<16384x128xf32, #tpu.memory_space<hbm>>, %arg5: memref<512xi32, #tpu.memory_space<vmem>>, %arg6: memref<512x128xf32, #tpu.memory_space<vmem>>, %arg7: memref<!tpu.dma_semaphore, #tpu.memory_space<semaphore_mem>>) attributes {dimension_semantics = [#tpu.dimension_semantics<core_parallel>, #tpu.dimension_semantics<subcore_parallel>], iteration_bounds = array<i64: 2, 16>, scalar_prefetch = 0 : i64, scratch_operands = 3 : i64, tpu.core_type = #tpu.core_type<sc_vector_subcore>, window_params = [{transform_indices = #map}, {transform_indices = #map1}, {transform_indices = #map}]} {
    %mul3A = arith.constant 2 : i32
    %mul3A_0 = arith.muli %arg1, %mul3A : i32
    %add3A = arith.addi %mul3A_0, %arg0 : i32
    %mul3A_1 = arith.constant 512 : i32
    %mul3A_2 = arith.muli %add3A, %mul3A_1 : i32
    "tpu.region"() ({
      %run_scoped3A = tpu.sem_alloc : memref<!tpu.dma_semaphore, #tpu.memory_space<semaphore_mem>>
      %dma_start3A_65 = tpu.memref_slice %arg3[%mul3A_2] : memref<16384xi32, #tpu.memory_space<hbm>> -> memref<512xi32, #tpu.memory_space<hbm>>
      %dma_start3A_66 = tpu.memref_slice %arg3[%mul3A_2] : memref<16384xi32, #tpu.memory_space<hbm>> -> memref<512xi32, #tpu.memory_space<hbm>>
      tpu.enqueue_dma source(%dma_start3A_66 : memref<512xi32, #tpu.memory_space<hbm>>) target(%arg5 : memref<512xi32, #tpu.memory_space<vmem>>) target_semaphore(%run_scoped3A : memref<!tpu.dma_semaphore, #tpu.memory_space<semaphore_mem>>)
      %dma_wait3A_67 = tpu.memref_slice %arg3[%mul3A_2] : memref<16384xi32, #tpu.memory_space<hbm>> -> memref<512xi32, #tpu.memory_space<hbm>>
      %dma_wait3A_68 = tpu.memref_slice %arg3[%mul3A_2] : memref<16384xi32, #tpu.memory_space<hbm>> -> memref<512xi32, #tpu.memory_space<hbm>>
      tpu.wait_dma2 semaphore(%run_scoped3A : memref<!tpu.dma_semaphore, #tpu.memory_space<semaphore_mem>>) src(%dma_wait3A_68 : memref<512xi32, #tpu.memory_space<hbm>>) dst(%arg5 : memref<512xi32, #tpu.memory_space<vmem>>)
      tpu.yield
    }) : () -> ()
    %dma_start3A = arith.constant 0 : i32
    %dma_start3A_3 = arith.constant 0 : i32
    %dma_start3A_4 = tpu.memref_slice %arg6[%dma_start3A, %dma_start3A_3] : memref<512x128xf32, #tpu.memory_space<vmem>> -> memref<128x128xf32, #tpu.memory_space<vmem>>
    %dma_start3A_5 = arith.constant 0 : i32
    %dma_start3A_6 = tpu.memref_slice %arg5[%dma_start3A_5] : memref<512xi32, #tpu.memory_space<vmem>> -> memref<128xi32, #tpu.memory_space<vmem>>
    %dma_start3A_7 = arith.constant 0 : i32
    %dma_start3A_8 = arith.constant 0 : i32
    %dma_start3A_9 = tpu.memref_slice %arg2[%dma_start3A_7, %dma_start3A_8] : memref<251904x128xf32, #tpu.memory_space<hbm>> -> memref<251904x128xf32, #tpu.memory_space<hbm>>
    tpu.enqueue_indirect_dma source(%dma_start3A_9 : memref<251904x128xf32, #tpu.memory_space<hbm>>) target(%dma_start3A_4 : memref<128x128xf32, #tpu.memory_space<vmem>>) offsets(%dma_start3A_6 : memref<128xi32, #tpu.memory_space<vmem>>) semaphore(%arg7 : memref<!tpu.dma_semaphore, #tpu.memory_space<semaphore_mem>>)
    %dma_start3A_10 = arith.constant 128 : i32
    %dma_start3A_11 = arith.constant 0 : i32
    %dma_start3A_12 = tpu.memref_slice %arg6[%dma_start3A_10, %dma_start3A_11] : memref<512x128xf32, #tpu.memory_space<vmem>> -> memref<128x128xf32, #tpu.memory_space<vmem>>
    %dma_start3A_13 = arith.constant 128 : i32
    %dma_start3A_14 = tpu.memref_slice %arg5[%dma_start3A_13] : memref<512xi32, #tpu.memory_space<vmem>> -> memref<128xi32, #tpu.memory_space<vmem>>
    %dma_start3A_15 = arith.constant 0 : i32
    %dma_start3A_16 = arith.constant 0 : i32
    %dma_start3A_17 = tpu.memref_slice %arg2[%dma_start3A_15, %dma_start3A_16] : memref<251904x128xf32, #tpu.memory_space<hbm>> -> memref<251904x128xf32, #tpu.memory_space<hbm>>
    tpu.enqueue_indirect_dma source(%dma_start3A_17 : memref<251904x128xf32, #tpu.memory_space<hbm>>) target(%dma_start3A_12 : memref<128x128xf32, #tpu.memory_space<vmem>>) offsets(%dma_start3A_14 : memref<128xi32, #tpu.memory_space<vmem>>) semaphore(%arg7 : memref<!tpu.dma_semaphore, #tpu.memory_space<semaphore_mem>>)
    %dma_start3A_18 = arith.constant 256 : i32
    %dma_start3A_19 = arith.constant 0 : i32
    %dma_start3A_20 = tpu.memref_slice %arg6[%dma_start3A_18, %dma_start3A_19] : memref<512x128xf32, #tpu.memory_space<vmem>> -> memref<128x128xf32, #tpu.memory_space<vmem>>
    %dma_start3A_21 = arith.constant 256 : i32
    %dma_start3A_22 = tpu.memref_slice %arg5[%dma_start3A_21] : memref<512xi32, #tpu.memory_space<vmem>> -> memref<128xi32, #tpu.memory_space<vmem>>
    %dma_start3A_23 = arith.constant 0 : i32
    %dma_start3A_24 = arith.constant 0 : i32
    %dma_start3A_25 = tpu.memref_slice %arg2[%dma_start3A_23, %dma_start3A_24] : memref<251904x128xf32, #tpu.memory_space<hbm>> -> memref<251904x128xf32, #tpu.memory_space<hbm>>
    tpu.enqueue_indirect_dma source(%dma_start3A_25 : memref<251904x128xf32, #tpu.memory_space<hbm>>) target(%dma_start3A_20 : memref<128x128xf32, #tpu.memory_space<vmem>>) offsets(%dma_start3A_22 : memref<128xi32, #tpu.memory_space<vmem>>) semaphore(%arg7 : memref<!tpu.dma_semaphore, #tpu.memory_space<semaphore_mem>>)
    %dma_start3A_26 = arith.constant 384 : i32
    %dma_start3A_27 = arith.constant 0 : i32
    %dma_start3A_28 = tpu.memref_slice %arg6[%dma_start3A_26, %dma_start3A_27] : memref<512x128xf32, #tpu.memory_space<vmem>> -> memref<128x128xf32, #tpu.memory_space<vmem>>
    %dma_start3A_29 = arith.constant 384 : i32
    %dma_start3A_30 = tpu.memref_slice %arg5[%dma_start3A_29] : memref<512xi32, #tpu.memory_space<vmem>> -> memref<128xi32, #tpu.memory_space<vmem>>
    %dma_start3A_31 = arith.constant 0 : i32
    %dma_start3A_32 = arith.constant 0 : i32
    %dma_start3A_33 = tpu.memref_slice %arg2[%dma_start3A_31, %dma_start3A_32] : memref<251904x128xf32, #tpu.memory_space<hbm>> -> memref<251904x128xf32, #tpu.memory_space<hbm>>
    tpu.enqueue_indirect_dma source(%dma_start3A_33 : memref<251904x128xf32, #tpu.memory_space<hbm>>) target(%dma_start3A_28 : memref<128x128xf32, #tpu.memory_space<vmem>>) offsets(%dma_start3A_30 : memref<128xi32, #tpu.memory_space<vmem>>) semaphore(%arg7 : memref<!tpu.dma_semaphore, #tpu.memory_space<semaphore_mem>>)
    %dma_wait3A = arith.constant 0 : i32
    %dma_wait3A_34 = arith.constant 0 : i32
    %dma_wait3A_35 = tpu.memref_slice %arg6[%dma_wait3A, %dma_wait3A_34] : memref<512x128xf32, #tpu.memory_space<vmem>> -> memref<128x128xf32, #tpu.memory_space<vmem>>
    %dma_wait3A_36 = arith.constant 0 : i32
    %dma_wait3A_37 = tpu.memref_slice %arg5[%dma_wait3A_36] : memref<512xi32, #tpu.memory_space<vmem>> -> memref<128xi32, #tpu.memory_space<vmem>>
    %dma_wait3A_38 = arith.constant 0 : i32
    %dma_wait3A_39 = arith.constant 0 : i32
    %dma_wait3A_40 = tpu.memref_slice %arg2[%dma_wait3A_38, %dma_wait3A_39] : memref<251904x128xf32, #tpu.memory_space<hbm>> -> memref<251904x128xf32, #tpu.memory_space<hbm>>
    tpu.wait_indirect_dma semaphore(%arg7 : memref<!tpu.dma_semaphore, #tpu.memory_space<semaphore_mem>>) src(%dma_wait3A_40 : memref<251904x128xf32, #tpu.memory_space<hbm>>) dst(%dma_wait3A_35 : memref<128x128xf32, #tpu.memory_space<vmem>>)
    %dma_wait3A_41 = arith.constant 128 : i32
    %dma_wait3A_42 = arith.constant 0 : i32
    %dma_wait3A_43 = tpu.memref_slice %arg6[%dma_wait3A_41, %dma_wait3A_42] : memref<512x128xf32, #tpu.memory_space<vmem>> -> memref<128x128xf32, #tpu.memory_space<vmem>>
    %dma_wait3A_44 = arith.constant 128 : i32
    %dma_wait3A_45 = tpu.memref_slice %arg5[%dma_wait3A_44] : memref<512xi32, #tpu.memory_space<vmem>> -> memref<128xi32, #tpu.memory_space<vmem>>
    %dma_wait3A_46 = arith.constant 0 : i32
    %dma_wait3A_47 = arith.constant 0 : i32
    %dma_wait3A_48 = tpu.memref_slice %arg2[%dma_wait3A_46, %dma_wait3A_47] : memref<251904x128xf32, #tpu.memory_space<hbm>> -> memref<251904x128xf32, #tpu.memory_space<hbm>>
    tpu.wait_indirect_dma semaphore(%arg7 : memref<!tpu.dma_semaphore, #tpu.memory_space<semaphore_mem>>) src(%dma_wait3A_48 : memref<251904x128xf32, #tpu.memory_space<hbm>>) dst(%dma_wait3A_43 : memref<128x128xf32, #tpu.memory_space<vmem>>)
    %dma_wait3A_49 = arith.constant 256 : i32
    %dma_wait3A_50 = arith.constant 0 : i32
    %dma_wait3A_51 = tpu.memref_slice %arg6[%dma_wait3A_49, %dma_wait3A_50] : memref<512x128xf32, #tpu.memory_space<vmem>> -> memref<128x128xf32, #tpu.memory_space<vmem>>
    %dma_wait3A_52 = arith.constant 256 : i32
    %dma_wait3A_53 = tpu.memref_slice %arg5[%dma_wait3A_52] : memref<512xi32, #tpu.memory_space<vmem>> -> memref<128xi32, #tpu.memory_space<vmem>>
    %dma_wait3A_54 = arith.constant 0 : i32
    %dma_wait3A_55 = arith.constant 0 : i32
    %dma_wait3A_56 = tpu.memref_slice %arg2[%dma_wait3A_54, %dma_wait3A_55] : memref<251904x128xf32, #tpu.memory_space<hbm>> -> memref<251904x128xf32, #tpu.memory_space<hbm>>
    tpu.wait_indirect_dma semaphore(%arg7 : memref<!tpu.dma_semaphore, #tpu.memory_space<semaphore_mem>>) src(%dma_wait3A_56 : memref<251904x128xf32, #tpu.memory_space<hbm>>) dst(%dma_wait3A_51 : memref<128x128xf32, #tpu.memory_space<vmem>>)
    %dma_wait3A_57 = arith.constant 384 : i32
    %dma_wait3A_58 = arith.constant 0 : i32
    %dma_wait3A_59 = tpu.memref_slice %arg6[%dma_wait3A_57, %dma_wait3A_58] : memref<512x128xf32, #tpu.memory_space<vmem>> -> memref<128x128xf32, #tpu.memory_space<vmem>>
    %dma_wait3A_60 = arith.constant 384 : i32
    %dma_wait3A_61 = tpu.memref_slice %arg5[%dma_wait3A_60] : memref<512xi32, #tpu.memory_space<vmem>> -> memref<128xi32, #tpu.memory_space<vmem>>
    %dma_wait3A_62 = arith.constant 0 : i32
    %dma_wait3A_63 = arith.constant 0 : i32
    %dma_wait3A_64 = tpu.memref_slice %arg2[%dma_wait3A_62, %dma_wait3A_63] : memref<251904x128xf32, #tpu.memory_space<hbm>> -> memref<251904x128xf32, #tpu.memory_space<hbm>>
    tpu.wait_indirect_dma semaphore(%arg7 : memref<!tpu.dma_semaphore, #tpu.memory_space<semaphore_mem>>) src(%dma_wait3A_64 : memref<251904x128xf32, #tpu.memory_space<hbm>>) dst(%dma_wait3A_59 : memref<128x128xf32, #tpu.memory_space<vmem>>)
    "tpu.region"() ({
      %run_scoped3A = tpu.sem_alloc : memref<!tpu.dma_semaphore, #tpu.memory_space<semaphore_mem>>
      %dma_start3A_65 = arith.constant 0 : i32
      %dma_start3A_66 = tpu.memref_slice %arg4[%mul3A_2, %dma_start3A_65] : memref<16384x128xf32, #tpu.memory_space<hbm>> -> memref<512x128xf32, #tpu.memory_space<hbm>>
      %dma_start3A_67 = arith.constant 0 : i32
      %dma_start3A_68 = tpu.memref_slice %arg4[%mul3A_2, %dma_start3A_67] : memref<16384x128xf32, #tpu.memory_space<hbm>> -> memref<512x128xf32, #tpu.memory_space<hbm>>
      tpu.enqueue_dma source(%arg6 : memref<512x128xf32, #tpu.memory_space<vmem>>) target(%dma_start3A_68 : memref<512x128xf32, #tpu.memory_space<hbm>>) target_semaphore(%run_scoped3A : memref<!tpu.dma_semaphore, #tpu.memory_space<semaphore_mem>>)
      %dma_wait3A_69 = arith.constant 0 : i32
      %dma_wait3A_70 = tpu.memref_slice %arg4[%mul3A_2, %dma_wait3A_69] : memref<16384x128xf32, #tpu.memory_space<hbm>> -> memref<512x128xf32, #tpu.memory_space<hbm>>
      %dma_wait3A_71 = arith.constant 0 : i32
      %dma_wait3A_72 = tpu.memref_slice %arg4[%mul3A_2, %dma_wait3A_71] : memref<16384x128xf32, #tpu.memory_space<hbm>> -> memref<512x128xf32, #tpu.memory_space<hbm>>
      tpu.wait_dma2 semaphore(%run_scoped3A : memref<!tpu.dma_semaphore, #tpu.memory_space<semaphore_mem>>) src(%arg6 : memref<512x128xf32, #tpu.memory_space<vmem>>) dst(%dma_wait3A_72 : memref<512x128xf32, #tpu.memory_space<hbm>>)
      tpu.yield
    }) : () -> ()
    return
  }
}

#map = affine_map<(d0, d1) -> (0, 0)>
#map1 = affine_map<(d0, d1) -> (0)>
module attributes {stable_mosaic.version = 14 : i64} {
  func.func @_sc_gather(%arg0: i32, %arg1: i32, %arg2: memref<251904x128xf32, #tpu.memory_space<hbm>>, %arg3: memref<16384xi32, #tpu.memory_space<hbm>>, %arg4: memref<16384x128xf32, #tpu.memory_space<hbm>>, %arg5: memref<512xi32, #tpu.memory_space<vmem>>, %arg6: memref<512x128xf32, #tpu.memory_space<vmem>>, %arg7: memref<!tpu.dma_semaphore, #tpu.memory_space<semaphore_mem>>) attributes {dimension_semantics = [#tpu.dimension_semantics<core_parallel>, #tpu.dimension_semantics<subcore_parallel>], iteration_bounds = array<i64: 2, 16>, scalar_prefetch = 0 : i64, scratch_operands = 3 : i64, tpu.core_type = #tpu.core_type<sc_vector_subcore>, window_params = [{transform_indices = #map}, {transform_indices = #map1}, {transform_indices = #map}]} {
    %mul3A = arith.constant 2 : i32
    %mul3A_0 = arith.muli %arg1, %mul3A : i32
    %add3A = arith.addi %mul3A_0, %arg0 : i32
    %mul3A_1 = arith.constant 512 : i32
    %mul3A_2 = arith.muli %add3A, %mul3A_1 : i32
    "tpu.region"() ({
      %run_scoped3A = tpu.sem_alloc : memref<!tpu.dma_semaphore, #tpu.memory_space<semaphore_mem>>
      %dma_start3A_65 = tpu.memref_slice %arg3[%mul3A_2] : memref<16384xi32, #tpu.memory_space<hbm>> -> memref<512xi32, #tpu.memory_space<hbm>>
      %dma_start3A_66 = tpu.memref_slice %arg3[%mul3A_2] : memref<16384xi32, #tpu.memory_space<hbm>> -> memref<512xi32, #tpu.memory_space<hbm>>
      tpu.enqueue_dma source(%dma_start3A_66 : memref<512xi32, #tpu.memory_space<hbm>>) target(%arg5 : memref<512xi32, #tpu.memory_space<vmem>>) target_semaphore(%run_scoped3A : memref<!tpu.dma_semaphore, #tpu.memory_space<semaphore_mem>>)
      %dma_wait3A_67 = tpu.memref_slice %arg3[%mul3A_2] : memref<16384xi32, #tpu.memory_space<hbm>> -> memref<512xi32, #tpu.memory_space<hbm>>
      %dma_wait3A_68 = tpu.memref_slice %arg3[%mul3A_2] : memref<16384xi32, #tpu.memory_space<hbm>> -> memref<512xi32, #tpu.memory_space<hbm>>
      tpu.wait_dma2 semaphore(%run_scoped3A : memref<!tpu.dma_semaphore, #tpu.memory_space<semaphore_mem>>) src(%dma_wait3A_68 : memref<512xi32, #tpu.memory_space<hbm>>) dst(%arg5 : memref<512xi32, #tpu.memory_space<vmem>>)
      tpu.yield
    }) : () -> ()
    %dma_start3A = arith.constant 0 : i32
    %dma_start3A_3 = arith.constant 0 : i32
    %dma_start3A_4 = tpu.memref_slice %arg6[%dma_start3A, %dma_start3A_3] : memref<512x128xf32, #tpu.memory_space<vmem>> -> memref<128x128xf32, #tpu.memory_space<vmem>>
    %dma_start3A_5 = arith.constant 0 : i32
    %dma_start3A_6 = tpu.memref_slice %arg5[%dma_start3A_5] : memref<512xi32, #tpu.memory_space<vmem>> -> memref<128xi32, #tpu.memory_space<vmem>>
    %dma_start3A_7 = arith.constant 0 : i32
    %dma_start3A_8 = arith.constant 0 : i32
    %dma_start3A_9 = tpu.memref_slice %arg2[%dma_start3A_7, %dma_start3A_8] : memref<251904x128xf32, #tpu.memory_space<hbm>> -> memref<251904x128xf32, #tpu.memory_space<hbm>>
    tpu.enqueue_indirect_dma source(%dma_start3A_9 : memref<251904x128xf32, #tpu.memory_space<hbm>>) target(%dma_start3A_4 : memref<128x128xf32, #tpu.memory_space<vmem>>) offsets(%dma_start3A_6 : memref<128xi32, #tpu.memory_space<vmem>>) semaphore(%arg7 : memref<!tpu.dma_semaphore, #tpu.memory_space<semaphore_mem>>)
    %dma_start3A_10 = arith.constant 128 : i32
    %dma_start3A_11 = arith.constant 0 : i32
    %dma_start3A_12 = tpu.memref_slice %arg6[%dma_start3A_10, %dma_start3A_11] : memref<512x128xf32, #tpu.memory_space<vmem>> -> memref<128x128xf32, #tpu.memory_space<vmem>>
    %dma_start3A_13 = arith.constant 128 : i32
    %dma_start3A_14 = tpu.memref_slice %arg5[%dma_start3A_13] : memref<512xi32, #tpu.memory_space<vmem>> -> memref<128xi32, #tpu.memory_space<vmem>>
    %dma_start3A_15 = arith.constant 0 : i32
    %dma_start3A_16 = arith.constant 0 : i32
    %dma_start3A_17 = tpu.memref_slice %arg2[%dma_start3A_15, %dma_start3A_16] : memref<251904x128xf32, #tpu.memory_space<hbm>> -> memref<251904x128xf32, #tpu.memory_space<hbm>>
    tpu.enqueue_indirect_dma source(%dma_start3A_17 : memref<251904x128xf32, #tpu.memory_space<hbm>>) target(%dma_start3A_12 : memref<128x128xf32, #tpu.memory_space<vmem>>) offsets(%dma_start3A_14 : memref<128xi32, #tpu.memory_space<vmem>>) semaphore(%arg7 : memref<!tpu.dma_semaphore, #tpu.memory_space<semaphore_mem>>)
    %dma_start3A_18 = arith.constant 256 : i32
    %dma_start3A_19 = arith.constant 0 : i32
    %dma_start3A_20 = tpu.memref_slice %arg6[%dma_start3A_18, %dma_start3A_19] : memref<512x128xf32, #tpu.memory_space<vmem>> -> memref<128x128xf32, #tpu.memory_space<vmem>>
    %dma_start3A_21 = arith.constant 256 : i32
    %dma_start3A_22 = tpu.memref_slice %arg5[%dma_start3A_21] : memref<512xi32, #tpu.memory_space<vmem>> -> memref<128xi32, #tpu.memory_space<vmem>>
    %dma_start3A_23 = arith.constant 0 : i32
    %dma_start3A_24 = arith.constant 0 : i32
    %dma_start3A_25 = tpu.memref_slice %arg2[%dma_start3A_23, %dma_start3A_24] : memref<251904x128xf32, #tpu.memory_space<hbm>> -> memref<251904x128xf32, #tpu.memory_space<hbm>>
    tpu.enqueue_indirect_dma source(%dma_start3A_25 : memref<251904x128xf32, #tpu.memory_space<hbm>>) target(%dma_start3A_20 : memref<128x128xf32, #tpu.memory_space<vmem>>) offsets(%dma_start3A_22 : memref<128xi32, #tpu.memory_space<vmem>>) semaphore(%arg7 : memref<!tpu.dma_semaphore, #tpu.memory_space<semaphore_mem>>)
    %dma_start3A_26 = arith.constant 384 : i32
    %dma_start3A_27 = arith.constant 0 : i32
    %dma_start3A_28 = tpu.memref_slice %arg6[%dma_start3A_26, %dma_start3A_27] : memref<512x128xf32, #tpu.memory_space<vmem>> -> memref<128x128xf32, #tpu.memory_space<vmem>>
    %dma_start3A_29 = arith.constant 384 : i32
    %dma_start3A_30 = tpu.memref_slice %arg5[%dma_start3A_29] : memref<512xi32, #tpu.memory_space<vmem>> -> memref<128xi32, #tpu.memory_space<vmem>>
    %dma_start3A_31 = arith.constant 0 : i32
    %dma_start3A_32 = arith.constant 0 : i32
    %dma_start3A_33 = tpu.memref_slice %arg2[%dma_start3A_31, %dma_start3A_32] : memref<251904x128xf32, #tpu.memory_space<hbm>> -> memref<251904x128xf32, #tpu.memory_space<hbm>>
    tpu.enqueue_indirect_dma source(%dma_start3A_33 : memref<251904x128xf32, #tpu.memory_space<hbm>>) target(%dma_start3A_28 : memref<128x128xf32, #tpu.memory_space<vmem>>) offsets(%dma_start3A_30 : memref<128xi32, #tpu.memory_space<vmem>>) semaphore(%arg7 : memref<!tpu.dma_semaphore, #tpu.memory_space<semaphore_mem>>)
    %dma_wait3A = arith.constant 0 : i32
    %dma_wait3A_34 = arith.constant 0 : i32
    %dma_wait3A_35 = tpu.memref_slice %arg6[%dma_wait3A, %dma_wait3A_34] : memref<512x128xf32, #tpu.memory_space<vmem>> -> memref<128x128xf32, #tpu.memory_space<vmem>>
    %dma_wait3A_36 = arith.constant 0 : i32
    %dma_wait3A_37 = tpu.memref_slice %arg5[%dma_wait3A_36] : memref<512xi32, #tpu.memory_space<vmem>> -> memref<128xi32, #tpu.memory_space<vmem>>
    %dma_wait3A_38 = arith.constant 0 : i32
    %dma_wait3A_39 = arith.constant 0 : i32
    %dma_wait3A_40 = tpu.memref_slice %arg2[%dma_wait3A_38, %dma_wait3A_39] : memref<251904x128xf32, #tpu.memory_space<hbm>> -> memref<251904x128xf32, #tpu.memory_space<hbm>>
    tpu.wait_indirect_dma semaphore(%arg7 : memref<!tpu.dma_semaphore, #tpu.memory_space<semaphore_mem>>) src(%dma_wait3A_40 : memref<251904x128xf32, #tpu.memory_space<hbm>>) dst(%dma_wait3A_35 : memref<128x128xf32, #tpu.memory_space<vmem>>)
    %dma_wait3A_41 = arith.constant 128 : i32
    %dma_wait3A_42 = arith.constant 0 : i32
    %dma_wait3A_43 = tpu.memref_slice %arg6[%dma_wait3A_41, %dma_wait3A_42] : memref<512x128xf32, #tpu.memory_space<vmem>> -> memref<128x128xf32, #tpu.memory_space<vmem>>
    %dma_wait3A_44 = arith.constant 128 : i32
    %dma_wait3A_45 = tpu.memref_slice %arg5[%dma_wait3A_44] : memref<512xi32, #tpu.memory_space<vmem>> -> memref<128xi32, #tpu.memory_space<vmem>>
    %dma_wait3A_46 = arith.constant 0 : i32
    %dma_wait3A_47 = arith.constant 0 : i32
    %dma_wait3A_48 = tpu.memref_slice %arg2[%dma_wait3A_46, %dma_wait3A_47] : memref<251904x128xf32, #tpu.memory_space<hbm>> -> memref<251904x128xf32, #tpu.memory_space<hbm>>
    tpu.wait_indirect_dma semaphore(%arg7 : memref<!tpu.dma_semaphore, #tpu.memory_space<semaphore_mem>>) src(%dma_wait3A_48 : memref<251904x128xf32, #tpu.memory_space<hbm>>) dst(%dma_wait3A_43 : memref<128x128xf32, #tpu.memory_space<vmem>>)
    %dma_wait3A_49 = arith.constant 256 : i32
    %dma_wait3A_50 = arith.constant 0 : i32
    %dma_wait3A_51 = tpu.memref_slice %arg6[%dma_wait3A_49, %dma_wait3A_50] : memref<512x128xf32, #tpu.memory_space<vmem>> -> memref<128x128xf32, #tpu.memory_space<vmem>>
    %dma_wait3A_52 = arith.constant 256 : i32
    %dma_wait3A_53 = tpu.memref_slice %arg5[%dma_wait3A_52] : memref<512xi32, #tpu.memory_space<vmem>> -> memref<128xi32, #tpu.memory_space<vmem>>
    %dma_wait3A_54 = arith.constant 0 : i32
    %dma_wait3A_55 = arith.constant 0 : i32
    %dma_wait3A_56 = tpu.memref_slice %arg2[%dma_wait3A_54, %dma_wait3A_55] : memref<251904x128xf32, #tpu.memory_space<hbm>> -> memref<251904x128xf32, #tpu.memory_space<hbm>>
    tpu.wait_indirect_dma semaphore(%arg7 : memref<!tpu.dma_semaphore, #tpu.memory_space<semaphore_mem>>) src(%dma_wait3A_56 : memref<251904x128xf32, #tpu.memory_space<hbm>>) dst(%dma_wait3A_51 : memref<128x128xf32, #tpu.memory_space<vmem>>)
    %dma_wait3A_57 = arith.constant 384 : i32
    %dma_wait3A_58 = arith.constant 0 : i32
    %dma_wait3A_59 = tpu.memref_slice %arg6[%dma_wait3A_57, %dma_wait3A_58] : memref<512x128xf32, #tpu.memory_space<vmem>> -> memref<128x128xf32, #tpu.memory_space<vmem>>
    %dma_wait3A_60 = arith.constant 384 : i32
    %dma_wait3A_61 = tpu.memref_slice %arg5[%dma_wait3A_60] : memref<512xi32, #tpu.memory_space<vmem>> -> memref<128xi32, #tpu.memory_space<vmem>>
    %dma_wait3A_62 = arith.constant 0 : i32
    %dma_wait3A_63 = arith.constant 0 : i32
    %dma_wait3A_64 = tpu.memref_slice %arg2[%dma_wait3A_62, %dma_wait3A_63] : memref<251904x128xf32, #tpu.memory_space<hbm>> -> memref<251904x128xf32, #tpu.memory_space<hbm>>
    tpu.wait_indirect_dma semaphore(%arg7 : memref<!tpu.dma_semaphore, #tpu.memory_space<semaphore_mem>>) src(%dma_wait3A_64 : memref<251904x128xf32, #tpu.memory_space<hbm>>) dst(%dma_wait3A_59 : memref<128x128xf32, #tpu.memory_space<vmem>>)
    "tpu.region"() ({
      %run_scoped3A = tpu.sem_alloc : memref<!tpu.dma_semaphore, #tpu.memory_space<semaphore_mem>>
      %dma_start3A_65 = arith.constant 0 : i32
      %dma_start3A_66 = tpu.memref_slice %arg4[%mul3A_2, %dma_start3A_65] : memref<16384x128xf32, #tpu.memory_space<hbm>> -> memref<512x128xf32, #tpu.memory_space<hbm>>
      %dma_start3A_67 = arith.constant 0 : i32
      %dma_start3A_68 = tpu.memref_slice %arg4[%mul3A_2, %dma_start3A_67] : memref<16384x128xf32, #tpu.memory_space<hbm>> -> memref<512x128xf32, #tpu.memory_space<hbm>>
      tpu.enqueue_dma source(%arg6 : memref<512x128xf32, #tpu.memory_space<vmem>>) target(%dma_start3A_68 : memref<512x128xf32, #tpu.memory_space<hbm>>) target_semaphore(%run_scoped3A : memref<!tpu.dma_semaphore, #tpu.memory_space<semaphore_mem>>)
      %dma_wait3A_69 = arith.constant 0 : i32
      %dma_wait3A_70 = tpu.memref_slice %arg4[%mul3A_2, %dma_wait3A_69] : memref<16384x128xf32, #tpu.memory_space<hbm>> -> memref<512x128xf32, #tpu.memory_space<hbm>>
      %dma_wait3A_71 = arith.constant 0 : i32
      %dma_wait3A_72 = tpu.memref_slice %arg4[%mul3A_2, %dma_wait3A_71] : memref<16384x128xf32, #tpu.memory_space<hbm>> -> memref<512x128xf32, #tpu.memory_space<hbm>>
      tpu.wait_dma2 semaphore(%run_scoped3A : memref<!tpu.dma_semaphore, #tpu.memory_space<semaphore_mem>>) src(%arg6 : memref<512x128xf32, #tpu.memory_space<vmem>>) dst(%dma_wait3A_72 : memref<512x128xf32, #tpu.memory_space<hbm>>)
      tpu.yield
    }) : () -> ()
    return
  }
}

module attributes {stable_mosaic.version = 14 : i64} {
  func.func @_project_body(%arg0: i32, %arg1: memref<64x2048xf32, #tpu.memory_space<vmem>>, %arg2: memref<64x2048xf32, #tpu.memory_space<vmem>>, %arg3: memref<64x2048xf32, #tpu.memory_space<vmem>>, %arg4: memref<64x2048xf32, #tpu.memory_space<vmem>>, %arg5: memref<64x64xf32, #tpu.memory_space<vmem>>, %arg6: memref<2048x128xf32, #tpu.memory_space<vmem>>) attributes {dimension_semantics = [#tpu.dimension_semantics<arbitrary>], iteration_bounds = array<i64: 123>, scalar_prefetch = 0 : i64, scratch_operands = 0 : i64, tpu.core_type = #tpu.core_type<tc>, window_params = [{transform_indices = @transform_0, window_bounds = array<i64: 64, 2048>}, {transform_indices = @transform_1, window_bounds = array<i64: 64, 2048>}, {transform_indices = @transform_2, window_bounds = array<i64: 64, 2048>}, {transform_indices = @transform_3, window_bounds = array<i64: 64, 2048>}, {pipeline_mode = #tpu.pipeline_mode<synchronous>, transform_indices = @transform_4, window_bounds = array<i64: 64, 64>}, {transform_indices = @transform_5, window_bounds = array<i64: 2048, 128>}]} {
    %get3A = arith.constant 0 : index
    %get3A_0 = arith.constant 0 : index
    %get3A_1 = vector.load %arg1[%get3A, %get3A_0] : memref<64x2048xf32, #tpu.memory_space<vmem>>, vector<64x2048xf32>
    %get3A_2 = arith.constant 0 : index
    %get3A_3 = arith.constant 0 : index
    %get3A_4 = vector.load %arg5[%get3A_2, %get3A_3] : memref<64x64xf32, #tpu.memory_space<vmem>>, vector<64x64xf32>
    %dot_general3A = arith.constant dense<0.000000e+00> : vector<2048x64xf32>
    %dot_general3A_5 = tpu.matmul %get3A_1, %get3A_4, %dot_general3A {dimension_numbers = #tpu.dot_dimension_numbers<[0], [0], [1], [1], [0, 1, 1, 1], [], []>, transpose_lhs_hint = false} : vector<64x2048xf32>, vector<64x64xf32>, vector<2048x64xf32> -> vector<2048x64xf32>
    %get3A_6 = arith.constant 0 : index
    %get3A_7 = arith.constant 0 : index
    %get3A_8 = vector.load %arg2[%get3A_6, %get3A_7] : memref<64x2048xf32, #tpu.memory_space<vmem>>, vector<64x2048xf32>
    %get3A_9 = arith.constant 0 : index
    %get3A_10 = arith.constant 0 : index
    %get3A_11 = vector.load %arg5[%get3A_9, %get3A_10] : memref<64x64xf32, #tpu.memory_space<vmem>>, vector<64x64xf32>
    %dot_general3A_12 = arith.constant dense<0.000000e+00> : vector<2048x64xf32>
    %dot_general3A_13 = tpu.matmul %get3A_8, %get3A_11, %dot_general3A_12 {dimension_numbers = #tpu.dot_dimension_numbers<[0], [0], [1], [1], [0, 1, 1, 1], [], []>, transpose_lhs_hint = false} : vector<64x2048xf32>, vector<64x64xf32>, vector<2048x64xf32> -> vector<2048x64xf32>
    %concatenate3A = tpu.concatenate %dot_general3A_5, %dot_general3A_13 in 1 : vector<2048x64xf32>, vector<2048x64xf32> -> vector<2048x128xf32>
    %convert_element_type3A = arith.truncf %concatenate3A : vector<2048x128xf32> to vector<2048x128xbf16>
    %bitcast_convert_type3A = tpu.bitcast %convert_element_type3A : vector<2048x128xbf16> -> vector<2048x128xi16>
    %convert_element_type3A_14 = arith.extui %bitcast_convert_type3A : vector<2048x128xi16> to vector<2048x128xi32>
    %get3A_15 = arith.constant 0 : index
    %get3A_16 = arith.constant 0 : index
    %get3A_17 = vector.load %arg3[%get3A_15, %get3A_16] : memref<64x2048xf32, #tpu.memory_space<vmem>>, vector<64x2048xf32>
    %get3A_18 = arith.constant 0 : index
    %get3A_19 = arith.constant 0 : index
    %get3A_20 = vector.load %arg5[%get3A_18, %get3A_19] : memref<64x64xf32, #tpu.memory_space<vmem>>, vector<64x64xf32>
    %dot_general3A_21 = arith.constant dense<0.000000e+00> : vector<2048x64xf32>
    %dot_general3A_22 = tpu.matmul %get3A_17, %get3A_20, %dot_general3A_21 {dimension_numbers = #tpu.dot_dimension_numbers<[0], [0], [1], [1], [0, 1, 1, 1], [], []>, transpose_lhs_hint = false} : vector<64x2048xf32>, vector<64x64xf32>, vector<2048x64xf32> -> vector<2048x64xf32>
    %get3A_23 = arith.constant 0 : index
    %get3A_24 = arith.constant 0 : index
    %get3A_25 = vector.load %arg4[%get3A_23, %get3A_24] : memref<64x2048xf32, #tpu.memory_space<vmem>>, vector<64x2048xf32>
    %get3A_26 = arith.constant 0 : index
    %get3A_27 = arith.constant 0 : index
    %get3A_28 = vector.load %arg5[%get3A_26, %get3A_27] : memref<64x64xf32, #tpu.memory_space<vmem>>, vector<64x64xf32>
    %dot_general3A_29 = arith.constant dense<0.000000e+00> : vector<2048x64xf32>
    %dot_general3A_30 = tpu.matmul %get3A_25, %get3A_28, %dot_general3A_29 {dimension_numbers = #tpu.dot_dimension_numbers<[0], [0], [1], [1], [0, 1, 1, 1], [], []>, transpose_lhs_hint = false} : vector<64x2048xf32>, vector<64x64xf32>, vector<2048x64xf32> -> vector<2048x64xf32>
    %concatenate3A_31 = tpu.concatenate %dot_general3A_22, %dot_general3A_30 in 1 : vector<2048x64xf32>, vector<2048x64xf32> -> vector<2048x128xf32>
    %convert_element_type3A_32 = arith.truncf %concatenate3A_31 : vector<2048x128xf32> to vector<2048x128xbf16>
    %bitcast_convert_type3A_33 = tpu.bitcast %convert_element_type3A_32 : vector<2048x128xbf16> -> vector<2048x128xi16>
    %convert_element_type3A_34 = arith.extui %bitcast_convert_type3A_33 : vector<2048x128xi16> to vector<2048x128xi32>
    %shift_left3A = arith.constant 16 : i32
    %shift_left3A_35 = vector.broadcast %shift_left3A : i32 to vector<2048x128xi32>
    %shift_left3A_36 = arith.shli %convert_element_type3A_34, %shift_left3A_35 : vector<2048x128xi32>
    %or3A = arith.ori %convert_element_type3A_14, %shift_left3A_36 : vector<2048x128xi32>
    %bitcast_convert_type3A_37 = tpu.bitcast %or3A : vector<2048x128xi32> -> vector<2048x128xf32>
    %swap3A = arith.constant 0 : index
    %swap3A_38 = arith.constant 0 : index
    %swap3A_39 = vector.load %arg6[%swap3A, %swap3A_38] : memref<2048x128xf32, #tpu.memory_space<vmem>>, vector<2048x128xf32>
    tpu.vector_store %arg6[%swap3A, %swap3A_38], %bitcast_convert_type3A_37 {strides = array<i32>} : memref<2048x128xf32, #tpu.memory_space<vmem>>, vector<2048x128xf32>,
    return
  }
  func.func @transform_0(%arg0: i32) -> (i32, i32) {
    %mul3A = arith.constant 4 : i32
    %mul3A_0 = arith.muli %mul3A, %arg0 : i32
    %add3A = arith.constant 0 : i32
    %add3A_1 = arith.addi %mul3A_0, %add3A : i32
    %min3A = arith.constant 488 : i32
    %min3A_2 = arith.minsi %add3A_1, %min3A : i32
    %c0_i32 = arith.constant 0 : i32
    %c0_i32_3 = arith.constant 0 : i32
    return %c0_i32, %min3A_2 : i32, i32
  }
  func.func @transform_1(%arg0: i32) -> (i32, i32) {
    %mul3A = arith.constant 4 : i32
    %mul3A_0 = arith.muli %mul3A, %arg0 : i32
    %add3A = arith.constant 1 : i32
    %add3A_1 = arith.addi %mul3A_0, %add3A : i32
    %min3A = arith.constant 488 : i32
    %min3A_2 = arith.minsi %add3A_1, %min3A : i32
    %c0_i32 = arith.constant 0 : i32
    %c0_i32_3 = arith.constant 0 : i32
    return %c0_i32, %min3A_2 : i32, i32
  }
  func.func @transform_2(%arg0: i32) -> (i32, i32) {
    %mul3A = arith.constant 4 : i32
    %mul3A_0 = arith.muli %mul3A, %arg0 : i32
    %add3A = arith.constant 2 : i32
    %add3A_1 = arith.addi %mul3A_0, %add3A : i32
    %min3A = arith.constant 488 : i32
    %min3A_2 = arith.minsi %add3A_1, %min3A : i32
    %c0_i32 = arith.constant 0 : i32
    %c0_i32_3 = arith.constant 0 : i32
    return %c0_i32, %min3A_2 : i32, i32
  }
  func.func @transform_3(%arg0: i32) -> (i32, i32) {
    %mul3A = arith.constant 4 : i32
    %mul3A_0 = arith.muli %mul3A, %arg0 : i32
    %add3A = arith.constant 3 : i32
    %add3A_1 = arith.addi %mul3A_0, %add3A : i32
    %min3A = arith.constant 488 : i32
    %min3A_2 = arith.minsi %add3A_1, %min3A : i32
    %c0_i32 = arith.constant 0 : i32
    %c0_i32_3 = arith.constant 0 : i32
    return %c0_i32, %min3A_2 : i32, i32
  }
  func.func @transform_4(%arg0: i32) -> (i32, i32) {
    %c0_i32 = arith.constant 0 : i32
    %c0_i32_0 = arith.constant 0 : i32
    %c0_i32_1 = arith.constant 0 : i32
    return %c0_i32, %c0_i32_0 : i32, i32
  }
  func.func @transform_5(%arg0: i32) -> (i32, i32) {
    %c0_i32 = arith.constant 0 : i32
    %c0_i32_0 = arith.constant 0 : i32
    return %arg0, %c0_i32 : i32, i32
  }
}

module attributes {stable_mosaic.version = 14 : i64} {
  func.func @_tail_body(%arg0: i32, %arg1: memref<2048x128xf32, #tpu.memory_space<vmem>>, %arg2: memref<2048x16xf32, #tpu.memory_space<vmem>>, %arg3: memref<2048x1xi32, #tpu.memory_space<vmem>>, %arg4: memref<2048x1xi32, #tpu.memory_space<vmem>>, %arg5: memref<2048x128xf32, #tpu.memory_space<vmem>>, %arg6: memref<2048x16xf32, #tpu.memory_space<vmem>>, %arg7: memref<2048x1xi32, #tpu.memory_space<vmem>>, %arg8: memref<2048x1xi32, #tpu.memory_space<vmem>>, %arg9: memref<16x64xf32, #tpu.memory_space<vmem>>, %arg10: memref<1x64xf32, #tpu.memory_space<vmem>>, %arg11: memref<16x64xf32, #tpu.memory_space<vmem>>, %arg12: memref<1x64xf32, #tpu.memory_space<vmem>>, %arg13: memref<1x64xf32, #tpu.memory_space<vmem>>, %arg14: memref<1x64xf32, #tpu.memory_space<vmem>>, %arg15: memref<1x64xf32, #tpu.memory_space<vmem>>, %arg16: memref<1x64xf32, #tpu.memory_space<vmem>>, %arg17: memref<2048x64xf32, #tpu.memory_space<vmem>>, %arg18: memref<2048x64xf32, #tpu.memory_space<vmem>>) attributes {dimension_semantics = [#tpu.dimension_semantics<arbitrary>], iteration_bounds = array<i64: 8>, scalar_prefetch = 0 : i64, scratch_operands = 0 : i64, tpu.core_type = #tpu.core_type<tc>, window_params = [{transform_indices = @transform_0, window_bounds = array<i64: 2048, 128>}, {transform_indices = @transform_1, window_bounds = array<i64: 2048, 16>}, {transform_indices = @transform_2, window_bounds = array<i64: 2048, 1>}, {transform_indices = @transform_3, window_bounds = array<i64: 2048, 1>}, {transform_indices = @transform_4, window_bounds = array<i64: 2048, 128>}, {transform_indices = @transform_5, window_bounds = array<i64: 2048, 16>}, {transform_indices = @transform_6, window_bounds = array<i64: 2048, 1>}, {transform_indices = @transform_7, window_bounds = array<i64: 2048, 1>}, {pipeline_mode = #tpu.pipeline_mode<synchronous>, transform_indices = @transform_8, window_bounds = array<i64: 16, 64>}, {pipeline_mode = #tpu.pipeline_mode<synchronous>, transform_indices = @transform_9, window_bounds = array<i64: 1, 64>}, {pipeline_mode = #tpu.pipeline_mode<synchronous>, transform_indices = @transform_10, window_bounds = array<i64: 16, 64>}, {pipeline_mode = #tpu.pipeline_mode<synchronous>, transform_indices = @transform_11, window_bounds = array<i64: 1, 64>}, {pipeline_mode = #tpu.pipeline_mode<synchronous>, transform_indices = @transform_12, window_bounds = array<i64: 1, 64>}, {pipeline_mode = #tpu.pipeline_mode<synchronous>, transform_indices = @transform_13, window_bounds = array<i64: 1, 64>}, {pipeline_mode = #tpu.pipeline_mode<synchronous>, transform_indices = @transform_14, window_bounds = array<i64: 1, 64>}, {pipeline_mode = #tpu.pipeline_mode<synchronous>, transform_indices = @transform_15, window_bounds = array<i64: 1, 64>}, {transform_indices = @transform_16, window_bounds = array<i64: 2048, 64>}, {transform_indices = @transform_17, window_bounds = array<i64: 2048, 64>}]} {
    %get3A = arith.constant 0 : index
    %get3A_0 = arith.constant 0 : index
    %get3A_1 = vector.load %arg3[%get3A, %get3A_0] : memref<2048x1xi32, #tpu.memory_space<vmem>>, vector<2048x1xi32>
    %get3A_2 = arith.constant 0 : index
    %get3A_3 = arith.constant 0 : index
    %get3A_4 = vector.load %arg4[%get3A_2, %get3A_3] : memref<2048x1xi32, #tpu.memory_space<vmem>>, vector<2048x1xi32>
    %get3A_5 = arith.constant 0 : index
    %get3A_6 = arith.constant 0 : index
    %get3A_7 = vector.load %arg1[%get3A_5, %get3A_6] : memref<2048x128xf32, #tpu.memory_space<vmem>>, vector<2048x128xf32>
    %bitcast_convert_type3A = tpu.bitcast %get3A_7 : vector<2048x128xf32> -> vector<2048x128xi32>
    %gt3A = arith.constant 0 : i32
    %gt3A_8 = vector.broadcast %gt3A : i32 to vector<2048x1xi32>
    %gt3A_9 = arith.cmpi sgt, %get3A_1, %gt3A_8 : vector<2048x1xi32>
    %shift_right_logical3A = arith.constant 16 : i32
    %shift_right_logical3A_10 = vector.broadcast %shift_right_logical3A : i32 to vector<2048x128xi32>
    %shift_right_logical3A_11 = arith.shrui %bitcast_convert_type3A, %shift_right_logical3A_10 : vector<2048x128xi32>
    %and3A = arith.constant 65535 : i32
    %and3A_12 = vector.broadcast %and3A : i32 to vector<2048x128xi32>
    %and3A_13 = arith.andi %bitcast_convert_type3A, %and3A_12 : vector<2048x128xi32>
    %broadcast_in_dim3A = vector.shape_cast %gt3A_9 : vector<2048x1xi1> to vector<2048x1xi1>
    %broadcast_in_dim3A_14 = vector.broadcast %broadcast_in_dim3A : vector<2048x1xi1> to vector<2048x128xi1>
    %select_n3A = arith.select %broadcast_in_dim3A_14, %shift_right_logical3A_11, %and3A_13 : vector<2048x128xi1>, vector<2048x128xi32>
    %convert_element_type3A = arith.trunci %select_n3A : vector<2048x128xi32> to vector<2048x128xi16>
    %bitcast_convert_type3A_15 = tpu.bitcast %convert_element_type3A : vector<2048x128xi16> -> vector<2048x128xbf16>
    %convert_element_type3A_16 = arith.extf %bitcast_convert_type3A_15 : vector<2048x128xbf16> to vector<2048x128xf32>
    %gt3A_17 = arith.constant 0 : i32
    %gt3A_18 = vector.broadcast %gt3A_17 : i32 to vector<2048x1xi32>
    %gt3A_19 = arith.cmpi sgt, %get3A_4, %gt3A_18 : vector<2048x1xi32>
    %slice3A = vector.extract_strided_slice %convert_element_type3A_16 {offsets = [0, 64], sizes = [2048, 64], strides = [1, 1]} : vector<2048x128xf32> to vector<2048x64xf32>
    %slice3A_20 = vector.extract_strided_slice %convert_element_type3A_16 {offsets = [0, 0], sizes = [2048, 64], strides = [1, 1]} : vector<2048x128xf32> to vector<2048x64xf32>
    %broadcast_in_dim3A_21 = vector.shape_cast %gt3A_19 : vector<2048x1xi1> to vector<2048x1xi1>
    %broadcast_in_dim3A_22 = vector.broadcast %broadcast_in_dim3A_21 : vector<2048x1xi1> to vector<2048x64xi1>
    %select_n3A_23 = arith.select %broadcast_in_dim3A_22, %slice3A, %slice3A_20 : vector<2048x64xi1>, vector<2048x64xf32>
    %get3A_24 = arith.constant 0 : index
    %get3A_25 = arith.constant 0 : index
    %get3A_26 = vector.load %arg2[%get3A_24, %get3A_25] : memref<2048x16xf32, #tpu.memory_space<vmem>>, vector<2048x16xf32>
    %get3A_27 = arith.constant 0 : index
    %get3A_28 = arith.constant 0 : index
    %get3A_29 = vector.load %arg9[%get3A_27, %get3A_28] : memref<16x64xf32, #tpu.memory_space<vmem>>, vector<16x64xf32>
    %dot_general3A = arith.constant dense<0.000000e+00> : vector<2048x64xf32>
    %dot_general3A_30 = tpu.matmul %get3A_26, %get3A_29, %dot_general3A {dimension_numbers = #tpu.dot_dimension_numbers<[1], [0], [0], [1], [0, 0, 1, 1], [], []>, transpose_lhs_hint = false} : vector<2048x16xf32>, vector<16x64xf32>, vector<2048x64xf32> -> vector<2048x64xf32>
    %add3A = arith.addf %select_n3A_23, %dot_general3A_30 : vector<2048x64xf32>
    %get3A_31 = arith.constant 0 : index
    %get3A_32 = arith.constant 0 : index
    %get3A_33 = vector.load %arg10[%get3A_31, %get3A_32] : memref<1x64xf32, #tpu.memory_space<vmem>>, vector<1x64xf32>
    %add3A_34 = vector.broadcast %get3A_33 : vector<1x64xf32> to vector<2048x64xf32>
    %add3A_35 = arith.addf %add3A, %add3A_34 : vector<2048x64xf32>
    %reduce_sum3A = arith.constant dense<0.000000e+00> : vector<2048xf32>
    %reduce_sum3A_36 = vector.multi_reduction <add>, %add3A_35, %reduce_sum3A [1] : vector<2048x64xf32> to vector<2048xf32>
    %broadcast_in_dim3A_37 = vector.shape_cast %reduce_sum3A_36 : vector<2048xf32> to vector<2048x1xf32>
    %div3A = arith.constant 6.400000e+01 : f32
    %div3A_38 = vector.broadcast %div3A : f32 to vector<2048x1xf32>
    %div3A_39 = arith.divf %broadcast_in_dim3A_37, %div3A_38 : vector<2048x1xf32>
    %sub3A = vector.broadcast %div3A_39 : vector<2048x1xf32> to vector<2048x64xf32>
    %sub3A_40 = arith.subf %add3A_35, %sub3A : vector<2048x64xf32>
    %mul3A = arith.mulf %sub3A_40, %sub3A_40 : vector<2048x64xf32>
    %reduce_sum3A_41 = arith.constant dense<0.000000e+00> : vector<2048xf32>
    %reduce_sum3A_42 = vector.multi_reduction <add>, %mul3A, %reduce_sum3A_41 [1] : vector<2048x64xf32> to vector<2048xf32>
    %broadcast_in_dim3A_43 = vector.shape_cast %reduce_sum3A_42 : vector<2048xf32> to vector<2048x1xf32>
    %div3A_44 = arith.constant 6.400000e+01 : f32
    %div3A_45 = vector.broadcast %div3A_44 : f32 to vector<2048x1xf32>
    %div3A_46 = arith.divf %broadcast_in_dim3A_43, %div3A_45 : vector<2048x1xf32>
    %add3A_47 = arith.constant 9.99999974E-6 : f32
    %add3A_48 = vector.broadcast %add3A_47 : f32 to vector<2048x1xf32>
    %add3A_49 = arith.addf %div3A_46, %add3A_48 : vector<2048x1xf32>
    %rsqrt3A = math.rsqrt %add3A_49 : vector<2048x1xf32>
    %mul3A_50 = vector.broadcast %rsqrt3A : vector<2048x1xf32> to vector<2048x64xf32>
    %mul3A_51 = arith.mulf %sub3A_40, %mul3A_50 : vector<2048x64xf32>
    %get3A_52 = arith.constant 0 : index
    %get3A_53 = arith.constant 0 : index
    %get3A_54 = vector.load %arg13[%get3A_52, %get3A_53] : memref<1x64xf32, #tpu.memory_space<vmem>>, vector<1x64xf32>
    %mul3A_55 = vector.broadcast %get3A_54 : vector<1x64xf32> to vector<2048x64xf32>
    %mul3A_56 = arith.mulf %mul3A_51, %mul3A_55 : vector<2048x64xf32>
    %get3A_57 = arith.constant 0 : index
    %get3A_58 = arith.constant 0 : index
    %get3A_59 = vector.load %arg14[%get3A_57, %get3A_58] : memref<1x64xf32, #tpu.memory_space<vmem>>, vector<1x64xf32>
    %add3A_60 = vector.broadcast %get3A_59 : vector<1x64xf32> to vector<2048x64xf32>
    %add3A_61 = arith.addf %mul3A_56, %add3A_60 : vector<2048x64xf32>
    %swap3A = arith.constant 0 : index
    %swap3A_62 = arith.constant 0 : index
    %swap3A_63 = vector.load %arg17[%swap3A, %swap3A_62] : memref<2048x64xf32, #tpu.memory_space<vmem>>, vector<2048x64xf32>
    tpu.vector_store %arg17[%swap3A, %swap3A_62], %add3A_61 {strides = array<i32>} : memref<2048x64xf32, #tpu.memory_space<vmem>>, vector<2048x64xf32>,
    %get3A_64 = arith.constant 0 : index
    %get3A_65 = arith.constant 0 : index
    %get3A_66 = vector.load %arg7[%get3A_64, %get3A_65] : memref<2048x1xi32, #tpu.memory_space<vmem>>, vector<2048x1xi32>
    %get3A_67 = arith.constant 0 : index
    %get3A_68 = arith.constant 0 : index
    %get3A_69 = vector.load %arg8[%get3A_67, %get3A_68] : memref<2048x1xi32, #tpu.memory_space<vmem>>, vector<2048x1xi32>
    %get3A_70 = arith.constant 0 : index
    %get3A_71 = arith.constant 0 : index
    %get3A_72 = vector.load %arg5[%get3A_70, %get3A_71] : memref<2048x128xf32, #tpu.memory_space<vmem>>, vector<2048x128xf32>
    %bitcast_convert_type3A_73 = tpu.bitcast %get3A_72 : vector<2048x128xf32> -> vector<2048x128xi32>
    %gt3A_74 = arith.constant 0 : i32
    %gt3A_75 = vector.broadcast %gt3A_74 : i32 to vector<2048x1xi32>
    %gt3A_76 = arith.cmpi sgt, %get3A_66, %gt3A_75 : vector<2048x1xi32>
    %shift_right_logical3A_77 = arith.constant 16 : i32
    %shift_right_logical3A_78 = vector.broadcast %shift_right_logical3A_77 : i32 to vector<2048x128xi32>
    %shift_right_logical3A_79 = arith.shrui %bitcast_convert_type3A_73, %shift_right_logical3A_78 : vector<2048x128xi32>
    %and3A_80 = arith.constant 65535 : i32
    %and3A_81 = vector.broadcast %and3A_80 : i32 to vector<2048x128xi32>
    %and3A_82 = arith.andi %bitcast_convert_type3A_73, %and3A_81 : vector<2048x128xi32>
    %broadcast_in_dim3A_83 = vector.shape_cast %gt3A_76 : vector<2048x1xi1> to vector<2048x1xi1>
    %broadcast_in_dim3A_84 = vector.broadcast %broadcast_in_dim3A_83 : vector<2048x1xi1> to vector<2048x128xi1>
    %select_n3A_85 = arith.select %broadcast_in_dim3A_84, %shift_right_logical3A_79, %and3A_82 : vector<2048x128xi1>, vector<2048x128xi32>
    %convert_element_type3A_86 = arith.trunci %select_n3A_85 : vector<2048x128xi32> to vector<2048x128xi16>
    %bitcast_convert_type3A_87 = tpu.bitcast %convert_element_type3A_86 : vector<2048x128xi16> -> vector<2048x128xbf16>
    %convert_element_type3A_88 = arith.extf %bitcast_convert_type3A_87 : vector<2048x128xbf16> to vector<2048x128xf32>
    %gt3A_89 = arith.constant 0 : i32
    %gt3A_90 = vector.broadcast %gt3A_89 : i32 to vector<2048x1xi32>
    %gt3A_91 = arith.cmpi sgt, %get3A_69, %gt3A_90 : vector<2048x1xi32>
    %slice3A_92 = vector.extract_strided_slice %convert_element_type3A_88 {offsets = [0, 64], sizes = [2048, 64], strides = [1, 1]} : vector<2048x128xf32> to vector<2048x64xf32>
    %slice3A_93 = vector.extract_strided_slice %convert_element_type3A_88 {offsets = [0, 0], sizes = [2048, 64], strides = [1, 1]} : vector<2048x128xf32> to vector<2048x64xf32>
    %broadcast_in_dim3A_94 = vector.shape_cast %gt3A_91 : vector<2048x1xi1> to vector<2048x1xi1>
    %broadcast_in_dim3A_95 = vector.broadcast %broadcast_in_dim3A_94 : vector<2048x1xi1> to vector<2048x64xi1>
    %select_n3A_96 = arith.select %broadcast_in_dim3A_95, %slice3A_92, %slice3A_93 : vector<2048x64xi1>, vector<2048x64xf32>
    %get3A_97 = arith.constant 0 : index
    %get3A_98 = arith.constant 0 : index
    %get3A_99 = vector.load %arg6[%get3A_97, %get3A_98] : memref<2048x16xf32, #tpu.memory_space<vmem>>, vector<2048x16xf32>
    %get3A_100 = arith.constant 0 : index
    %get3A_101 = arith.constant 0 : index
    %get3A_102 = vector.load %arg11[%get3A_100, %get3A_101] : memref<16x64xf32, #tpu.memory_space<vmem>>, vector<16x64xf32>
    %dot_general3A_103 = arith.constant dense<0.000000e+00> : vector<2048x64xf32>
    %dot_general3A_104 = tpu.matmul %get3A_99, %get3A_102, %dot_general3A_103 {dimension_numbers = #tpu.dot_dimension_numbers<[1], [0], [0], [1], [0, 0, 1, 1], [], []>, transpose_lhs_hint = false} : vector<2048x16xf32>, vector<16x64xf32>, vector<2048x64xf32> -> vector<2048x64xf32>
    %add3A_105 = arith.addf %select_n3A_96, %dot_general3A_104 : vector<2048x64xf32>
    %get3A_106 = arith.constant 0 : index
    %get3A_107 = arith.constant 0 : index
    %get3A_108 = vector.load %arg12[%get3A_106, %get3A_107] : memref<1x64xf32, #tpu.memory_space<vmem>>, vector<1x64xf32>
    %add3A_109 = vector.broadcast %get3A_108 : vector<1x64xf32> to vector<2048x64xf32>
    %add3A_110 = arith.addf %add3A_105, %add3A_109 : vector<2048x64xf32>
    %reduce_sum3A_111 = arith.constant dense<0.000000e+00> : vector<2048xf32>
    %reduce_sum3A_112 = vector.multi_reduction <add>, %add3A_110, %reduce_sum3A_111 [1] : vector<2048x64xf32> to vector<2048xf32>
    %broadcast_in_dim3A_113 = vector.shape_cast %reduce_sum3A_112 : vector<2048xf32> to vector<2048x1xf32>
    %div3A_114 = arith.constant 6.400000e+01 : f32
    %div3A_115 = vector.broadcast %div3A_114 : f32 to vector<2048x1xf32>
    %div3A_116 = arith.divf %broadcast_in_dim3A_113, %div3A_115 : vector<2048x1xf32>
    %sub3A_117 = vector.broadcast %div3A_116 : vector<2048x1xf32> to vector<2048x64xf32>
    %sub3A_118 = arith.subf %add3A_110, %sub3A_117 : vector<2048x64xf32>
    %mul3A_119 = arith.mulf %sub3A_118, %sub3A_118 : vector<2048x64xf32>
    %reduce_sum3A_120 = arith.constant dense<0.000000e+00> : vector<2048xf32>
    %reduce_sum3A_121 = vector.multi_reduction <add>, %mul3A_119, %reduce_sum3A_120 [1] : vector<2048x64xf32> to vector<2048xf32>
    %broadcast_in_dim3A_122 = vector.shape_cast %reduce_sum3A_121 : vector<2048xf32> to vector<2048x1xf32>
    %div3A_123 = arith.constant 6.400000e+01 : f32
    %div3A_124 = vector.broadcast %div3A_123 : f32 to vector<2048x1xf32>
    %div3A_125 = arith.divf %broadcast_in_dim3A_122, %div3A_124 : vector<2048x1xf32>
    %add3A_126 = arith.constant 9.99999974E-6 : f32
    %add3A_127 = vector.broadcast %add3A_126 : f32 to vector<2048x1xf32>
    %add3A_128 = arith.addf %div3A_125, %add3A_127 : vector<2048x1xf32>
    %rsqrt3A_129 = math.rsqrt %add3A_128 : vector<2048x1xf32>
    %mul3A_130 = vector.broadcast %rsqrt3A_129 : vector<2048x1xf32> to vector<2048x64xf32>
    %mul3A_131 = arith.mulf %sub3A_118, %mul3A_130 : vector<2048x64xf32>
    %get3A_132 = arith.constant 0 : index
    %get3A_133 = arith.constant 0 : index
    %get3A_134 = vector.load %arg15[%get3A_132, %get3A_133] : memref<1x64xf32, #tpu.memory_space<vmem>>, vector<1x64xf32>
    %mul3A_135 = vector.broadcast %get3A_134 : vector<1x64xf32> to vector<2048x64xf32>
    %mul3A_136 = arith.mulf %mul3A_131, %mul3A_135 : vector<2048x64xf32>
    %get3A_137 = arith.constant 0 : index
    %get3A_138 = arith.constant 0 : index
    %get3A_139 = vector.load %arg16[%get3A_137, %get3A_138] : memref<1x64xf32, #tpu.memory_space<vmem>>, vector<1x64xf32>
    %add3A_140 = vector.broadcast %get3A_139 : vector<1x64xf32> to vector<2048x64xf32>
    %add3A_141 = arith.addf %mul3A_136, %add3A_140 : vector<2048x64xf32>
    %swap3A_142 = arith.constant 0 : index
    %swap3A_143 = arith.constant 0 : index
    %swap3A_144 = vector.load %arg18[%swap3A_142, %swap3A_143] : memref<2048x64xf32, #tpu.memory_space<vmem>>, vector<2048x64xf32>
    tpu.vector_store %arg18[%swap3A_142, %swap3A_143], %add3A_141 {strides = array<i32>} : memref<2048x64xf32, #tpu.memory_space<vmem>>, vector<2048x64xf32>,
    return
  }
  func.func @transform_0(%arg0: i32) -> (i32, i32) {
    %c0_i32 = arith.constant 0 : i32
    %c0_i32_0 = arith.constant 0 : i32
    return %arg0, %c0_i32 : i32, i32
  }
  func.func @transform_1(%arg0: i32) -> (i32, i32) {
    %c0_i32 = arith.constant 0 : i32
    %c0_i32_0 = arith.constant 0 : i32
    return %arg0, %c0_i32 : i32, i32
  }
  func.func @transform_2(%arg0: i32) -> (i32, i32) {
    %c0_i32 = arith.constant 0 : i32
    %c0_i32_0 = arith.constant 0 : i32
    return %arg0, %c0_i32 : i32, i32
  }
  func.func @transform_3(%arg0: i32) -> (i32, i32) {
    %c0_i32 = arith.constant 0 : i32
    %c0_i32_0 = arith.constant 0 : i32
    return %arg0, %c0_i32 : i32, i32
  }
  func.func @transform_4(%arg0: i32) -> (i32, i32) {
    %c0_i32 = arith.constant 0 : i32
    %c0_i32_0 = arith.constant 0 : i32
    return %arg0, %c0_i32 : i32, i32
  }
  func.func @transform_5(%arg0: i32) -> (i32, i32) {
    %c0_i32 = arith.constant 0 : i32
    %c0_i32_0 = arith.constant 0 : i32
    return %arg0, %c0_i32 : i32, i32
  }
  func.func @transform_6(%arg0: i32) -> (i32, i32) {
    %c0_i32 = arith.constant 0 : i32
    %c0_i32_0 = arith.constant 0 : i32
    return %arg0, %c0_i32 : i32, i32
  }
  func.func @transform_7(%arg0: i32) -> (i32, i32) {
    %c0_i32 = arith.constant 0 : i32
    %c0_i32_0 = arith.constant 0 : i32
    return %arg0, %c0_i32 : i32, i32
  }
  func.func @transform_8(%arg0: i32) -> (i32, i32) {
    %c0_i32 = arith.constant 0 : i32
    %c0_i32_0 = arith.constant 0 : i32
    %c0_i32_1 = arith.constant 0 : i32
    return %c0_i32, %c0_i32_0 : i32, i32
  }
  func.func @transform_9(%arg0: i32) -> (i32, i32) {
    %c0_i32 = arith.constant 0 : i32
    %c0_i32_0 = arith.constant 0 : i32
    %c0_i32_1 = arith.constant 0 : i32
    return %c0_i32, %c0_i32_0 : i32, i32
  }
  func.func @transform_10(%arg0: i32) -> (i32, i32) {
    %c0_i32 = arith.constant 0 : i32
    %c0_i32_0 = arith.constant 0 : i32
    %c0_i32_1 = arith.constant 0 : i32
    return %c0_i32, %c0_i32_0 : i32, i32
  }
  func.func @transform_11(%arg0: i32) -> (i32, i32) {
    %c0_i32 = arith.constant 0 : i32
    %c0_i32_0 = arith.constant 0 : i32
    %c0_i32_1 = arith.constant 0 : i32
    return %c0_i32, %c0_i32_0 : i32, i32
  }
  func.func @transform_12(%arg0: i32) -> (i32, i32) {
    %c0_i32 = arith.constant 0 : i32
    %c0_i32_0 = arith.constant 0 : i32
    %c0_i32_1 = arith.constant 0 : i32
    return %c0_i32, %c0_i32_0 : i32, i32
  }
  func.func @transform_13(%arg0: i32) -> (i32, i32) {
    %c0_i32 = arith.constant 0 : i32
    %c0_i32_0 = arith.constant 0 : i32
    %c0_i32_1 = arith.constant 0 : i32
    return %c0_i32, %c0_i32_0 : i32, i32
  }
  func.func @transform_14(%arg0: i32) -> (i32, i32) {
    %c0_i32 = arith.constant 0 : i32
    %c0_i32_0 = arith.constant 0 : i32
    %c0_i32_1 = arith.constant 0 : i32
    return %c0_i32, %c0_i32_0 : i32, i32
  }
  func.func @transform_15(%arg0: i32) -> (i32, i32) {
    %c0_i32 = arith.constant 0 : i32
    %c0_i32_0 = arith.constant 0 : i32
    %c0_i32_1 = arith.constant 0 : i32
    return %c0_i32, %c0_i32_0 : i32, i32
  }
  func.func @transform_16(%arg0: i32) -> (i32, i32) {
    %c0_i32 = arith.constant 0 : i32
    %c0_i32_0 = arith.constant 0 : i32
    return %arg0, %c0_i32 : i32, i32
  }
  func.func @transform_17(%arg0: i32) -> (i32, i32) {
    %c0_i32 = arith.constant 0 : i32
    %c0_i32_0 = arith.constant 0 : i32
    return %arg0, %c0_i32 : i32, i32
  }
}

</mosaic_0001>

<sc_bundles>
// kernel: kernel.10.cloned.1.call-start
scs
__scs_entry_jumppad:
0x0: {  	(pc) =	sbr.rel $0x88, $3  }
0x1: {  	(tag) =	ssettag $0x0;
	lr =	simm.s32 $0x1  }
0x2: {  	[smem:$0x3F93] =	sst lr;
	_ =	strace $0xD0000000  }
0x3: {  	_ = 	snop  }
0x4: {  	_ = 	snop  }
0x5: {  	_ = 	snop  }
0x6: {  	_ = 	snop  }
0x7: {  	_ = 	snop  }
__scs_overlays_trampoline_lowered:
0x8: {  	[smem:$0x3FA2] =	sst s0  }
0x9: {  	[smem:$0x3FA3] =	sst s1  }
0xa: {  	[smem:$0x3FA4] =	sst s2  }
0xb: {  	[smem:$0x3FA5] =	sst s3  }
0xc: {  	[smem:$0x3FA6] =	sst s4  }
0xd: {  	[smem:$0x3FA7] =	sst s5  }
0xe: {  	[smem:$0x3FA8] =	sst s6  }
0xf: {  	[smem:$0x3FA9] =	sst s7  }
0x10: {  	[smem:$0x3FAA] =	sst s8  }
0x11: {  	[smem:$0x3FAB] =	sst s9;
	s0 =	simm.s32 @!p0 $0x0  }
0x12: {  	s1 =	sld [smem:$0x3F91];
	s0 =	simm.s32 @p0 $0x1  }
0x13: {  	[smem:$0x3FAC] =	sst s0;
	s0 =	simm.s32 @!p1 $0x0  }
0x14: {  	s2 =	sld [smem:$0x3F90];
	s0 =	simm.s32 @p1 $0x1  }
0x15: {  	[smem:$0x3FAD] =	sst s0;
	s0 =	simm.s32 @!p2 $0x0  }
0x16: {  	s3 =	sld [smem:$0x3FDB];
	s0 =	simm.s32 @p2 $0x1  }
0x17: {  	s4 =	simm.s32 $0x1BF5;
	[smem:$0x3FAF] =	sst s0  }
0x18: {  	s0 =	sld [smem:$0x3F92];
	_ =	swait.ge [sflag:s4], $0x0  }
0x19: {  	s7 =	sld [smem:$0x3F93]  }
0x1a: {  	s8 =	sadd.s32 $0xFFFFE003, lr  }
0x1b: {  	s9 =	sadd.s32 $0xFFFFFEF7, lr;
	s5 =	simm.s32 $0xFFFFFFFF;
	p2 =	slt.u32 s8, $0xFFFFF086  }
0x1c: {  	p1 =	slt.u32 s9, $0xF7A;
	s5 =	simm.s32 @!p2 $0x0  }
0x1d: {  	s5 =	simm.s32 @p1 $0x1;
	p0 =	seq.s32 s7, s2  }
0x1e: {  	s7 =	smul.u32 @!p0 $0xF7A, s2;
	p2 =	seq.s32 @!p0 s5, $0x0  }
0x1f: {  	s9 =	smul.u32 $0xF7A, s1;
	s8 =	simm.s32 @!p0 $0x1BF5;
	p2 =	por !p2, p0  }
0x20: {  	[sflag:s8] =	ssyncset.s32 @!p0 $0xFFFFF086;
	s6 =	sadd.s32 @!p0 s3, s7;
	s7 =	simm.s32 @!p0 $0x108  }
0x21: {  	s3 =	sadd.s32 s3, s9;
	s6 =	sadd.s32 @!p0 $0x88, s6;
	s7 =	simm.s32 @p2 $0x1082  }
0x22: {  	[simem:s7], [sflag:s8] =	dma.local @!p0 [hbm:s6], $0xF7A  }
0x23: {  	s9 =	sor.u32 $0xD0000000, s2;
	s6 =	simm.s32 $0x108;
	_ =	swait.ge @!p0 [sflag:s8], $0x0  }
0x24: {  	s3 =	sadd.s32 $0x88, s3;
	s6 =	simm.s32 @!p1 $0x1082;
	[sflag:s4] =	ssyncset.s32 $0xFFFFF086  }
0x25: {  	[simem:s6], [sflag:s4] =	dma.local [hbm:s3], $0xF7A  }
0x26: {  	[smem:$0x3F93] =	sst s1;
	(tag) =	ssettag s2;
	_ =	strace s9  }
0x27: {  	s1 =	sld [smem:$0x3FA3]  }
0x28: {  	s2 =	sld [smem:$0x3FA4]  }
0x29: {  	s4 =	sld [smem:$0x3FA6]  }
0x2a: {  	p0 =	seq.s32 s5, $0x0;
	s5 =	sld [smem:$0x3FA7]  }
0x2b: {  	s6 =	sld [smem:$0x3FA8]  }
0x2c: {  	s7 =	sld [smem:$0x3FA9]  }
0x2d: {  	s3 =	simm.s32 $0x108;
	s8 =	sld [smem:$0x3FAA]  }
0x2e: {  	s3 =	simm.s32 @!p0 $0x1082;
	s9 =	sld [smem:$0x3FAB]  }
0x2f: {  	lr =	sadd.s32 s0, s3;
	s0 =	sld [smem:$0x3FA2]  }
0x30: {  	s3 =	sld [smem:$0x3FA5]  }
0x31: {  	[smem:$0x3FAE] =	sst s10  }
0x32: {  	s10 =	sld [smem:$0x3FAC];
	_ =	sdelay $0x3  }
0x33: {  	p0 =	seq.s32 s10, $0x1;
	s10 =	sld [smem:$0x3FAE];
	_ =	sdelay $0x3  }
0x34: {  	[smem:$0x3FAE] =	sst s10  }
0x35: {  	s10 =	sld [smem:$0x3FAD];
	_ =	sdelay $0x3  }
0x36: {  	p1 =	seq.s32 s10, $0x1;
	s10 =	sld [smem:$0x3FAE];
	_ =	sdelay $0x3  }
0x37: {  	[smem:$0x3FAE] =	sst s10  }
0x38: {  	s10 =	sld [smem:$0x3FAF]  }
0x39: {  	_ = 	snop;
	(pc) =	sbr.ind lr, $3  }
0x3a: {  	_ = 	snop  }
0x3b: {  	_ = 	snop  }
0x3c: {  	p2 =	seq.s32 s10, $0x1;
	s10 =	sld [smem:$0x3FAE]  }
0x3d: {  	_ =	shalt  }
0x3e: {  	_ =	shalt  }
0x3f: {  	_ =	shalt  }
0x40: {  	_ =	shalt  }
0x41: {  	_ =	shalt  }
0x42: {  	_ =	shalt  }
0x43: {  	_ =	shalt  }
0x44: {  	_ =	shalt  }
0x45: {  	_ =	shalt  }
0x46: {  	_ =	shalt  }
0x47: {  	_ =	shalt  }
0x48: {  	_ =	shalt  }
0x49: {  	_ =	shalt  }
0x4a: {  	_ =	shalt  }
0x4b: {  	_ =	shalt  }
0x4c: {  	_ =	shalt  }
0x4d: {  	_ =	shalt  }
0x4e: {  	_ =	shalt  }
0x4f: {  	_ =	shalt  }
0x50: {  	_ =	shalt  }
0x51: {  	_ =	shalt  }
0x52: {  	_ =	shalt  }
0x53: {  	_ =	shalt  }
0x54: {  	_ =	shalt  }
0x55: {  	_ =	shalt  }
0x56: {  	_ =	shalt  }
0x57: {  	_ =	shalt  }
0x58: {  	_ =	shalt  }
0x59: {  	_ =	shalt  }
0x5a: {  	_ =	shalt  }
0x5b: {  	_ =	shalt  }
0x5c: {  	_ =	shalt  }
0x5d: {  	_ =	shalt  }
0x5e: {  	_ =	shalt  }
0x5f: {  	_ =	shalt  }
0x60: {  	_ =	shalt  }
0x61: {  	_ =	shalt  }
0x62: {  	_ =	shalt  }
0x63: {  	_ =	shalt  }
0x64: {  	_ =	shalt  }
0x65: {  	_ =	shalt  }
0x66: {  	_ =	shalt  }
0x67: {  	_ =	shalt  }
0x68: {  	_ =	shalt  }
0x69: {  	_ =	shalt  }
0x6a: {  	_ =	shalt  }
0x6b: {  	_ =	shalt  }
0x6c: {  	_ =	shalt  }
0x6d: {  	_ =	shalt  }
0x6e: {  	_ =	shalt  }
0x6f: {  	_ =	shalt  }
0x70: {  	_ =	shalt  }
0x71: {  	_ =	shalt  }
0x72: {  	_ =	shalt  }
0x73: {  	_ =	shalt  }
0x74: {  	_ =	shalt  }
0x75: {  	_ =	shalt  }
0x76: {  	_ =	shalt  }
0x77: {  	_ =	shalt  }
0x78: {  	_ =	shalt  }
0x79: {  	_ =	shalt  }
0x7a: {  	_ =	shalt  }
0x7b: {  	_ =	shalt  }
0x7c: {  	_ =	shalt  }
0x7d: {  	_ =	shalt  }
0x7e: {  	_ =	shalt  }
0x7f: {  	_ =	shalt  }
0x80: {  	_ =	shalt  }
0x81: {  	_ =	shalt  }
0x82: {  	_ =	shalt  }
0x83: {  	_ =	shalt  }
0x84: {  	_ =	shalt  }
0x85: {  	_ =	shalt  }
0x86: {  	_ =	shalt  }
0x87: {  	_ =	shalt  }
.Lfunc_end0:
.L_simem_size_0:
called_computation.1_lowered:
.L_overlay_start_0:
0x88: {  	s2 =	sld [smem:$0x3FD9]  }
0x89: {  	s3 =	sld [smem:$0x3FFE];
	_ =	sdelay $0x1  }
0x8a: {  	s1 =	srdreg.scid  }
0x8b: {  	s0 =	sand.u32 $0x1, s1  }
0x8c: {  	s16 =	sshll.u32 s0, $0xA;
	s2 =	sadd.s32 s3, s2  }
0x8d: {  	s2 =	sadd.s32 s2, s16  }
0x8e: {  	[smem:$0x3FBA] =	sst s2  }
0x8f: {  	_ = 	snop  }
0x90: {  	(tm) =	ssettm $0x1  }
0x91: {  	s17 =	sld [smem:$0x3FFB];
	_ =	sdelay $0x3  }
0x92: {  	_ =	strace s17  }
0x93: {  	s2 =	sld [smem:$0x3FFC];
	_ =	sdelay $0x3  }
0x94: {  	_ =	strace s2  }
0x95: {  	s2 =	sld [smem:$0x3FFD];
	_ =	sdelay $0x3  }
0x96: {  	_ =	strace s2  }
0x97: {  	_ =	strace $0x8FFFFFFF  }
0x98: {  	s18 =	sld [smem:$0x3FDB];
	_ =	sdelay $0x1  }
0x99: {  	s19 =	simm.s32 $_scs_section_size  }
0x9a: {  	s4 =	simm.s32 $_size__tile_overlayer_lowered;
	s5 =	simm.s32 $_tile_overlayer_lowered  }
0x9b: {  	s22 =	simm.s32 $0x1BFF;
	s21 =	sshll.u32 s5, $0x1;
	s2 =	sadd.s32 s19, s18  }
0x9c: {  	s6 =	simm.s32 $0x0;
	s20 =	sshll.u32 s4, $0x1;
	s4 =	sadd.s32 s21, s2  }
0x9d: {  	[timem:s6], [sflag:s22] =	dma.local [hbm:s4], s20  }
0x9e: {  	_ =	swait.ge [sflag:s22], s20  }
0x9f: {  	s3 =	ssub.s32 $0x0, s20;
	[sflag:s22] =	ssyncset.done $0x0  }
0xa0: {  	[sflag:s22] =	ssyncadd.s32 s3;
	_ =	sdelay $0x1  }
0xa1: {  	s23 =	simm.s32 $0x1B8B  }
0xa2: {  	_ =	swait.ge [sflag:s23], $0x1  }
0xa3: {  	[sflag:s23] =	ssyncset.done $0x0  }
0xa4: {  	s25 =	simm.s32 $0x1B8E;
	s24 =	sld [smem:$0x3FFE];
	[sflag:s23] =	ssyncadd.s32 $0xFFFFFFFF  }
0xa5: {  	s26 =	simm.s32 $execute0_lowered;
	[smem:$0x3FD2] =	sst s25  }
0xa6: {  	s4 =	sshll.u32 s26, $0x1;
	_ =	strace $0x80000046;
	[dreg:$0x1] =	wrdreg $0xFFFFFFFF  }
0xa7: {  	s28 =	simm.s32 $_size_execute0_lowered;
	s2 =	sadd.s32 s2, s4;
	[dreg:$0x0] =	wrdreg $0x0  }
0xa8: {  	s4 =	sshll.u32 s28, $0x1;
	[dreg:$0x2] =	wrdreg s2  }
0xa9: {  	[dreg:$0x3] =	wrdreg s4  }
0xaa: {  	[dreg:$0x4] =	wrdreg $0xC0  }
0xab: {  	_ =	task [dreg:s6], $0x5FFFF  }
0xac: {  	[dreg:$0x1] =	wrdreg $0xFFFFFFFF  }
0xad: {  	[dreg:$0x0] =	wrdreg $0x60  }
0xae: {  	[dreg:$0x2] =	wrdreg s24  }
0xaf: {  	[dreg:$0x3] =	wrdreg $0xA  }
0xb0: {  	_ =	task.clear_ibuf [dreg:s6], $0x4FFFF;
	_ =	strace $0x90000046  }
0xb1: {  	s29 =	simm.s32 $0xA;
	_ =	strace $0x80000048  }
0xb2: {  	_ =	swait.ge [sflag:s29], $0x1  }
0xb3: {  	[sflag:s29] =	ssyncadd.s32 $0xFFFFFFFF  }
0xb4: {  	_ =	strace $0x90000048  }
0xb5: {  	_ =	sfence  }
0xb6: {  	s30 =	sld [smem:$0x0];
	_ =	sdelay $0x2  }
0xb7: {  	s31 =	sshll.u32 s1, $0xD;
	s1 =	sshrl.u32 s1, $0x2  }
0xb8: {  	s3 =	sand.u32 $0x4000, s31;
	s1 =	sadd.s32 s1, s30  }
0xb9: {  	s0 =	sor.u32 s3, s0;
	s1 =	sshll.u32 s1, $0x11  }
0xba: {  	s0 =	sor.u32 s1, s0  }
0xbb: {  	s0 =	sadd.s32 $0x8F2B, s0  }
0xbc: {  	[sflag:s0] =	ssyncadd.remote.s32 $0x1  }
0xbd: {  	_ =	sfence.sel $0xFFFF  }
0xbe: {  	[dreg:$0x0] =	wrdreg $0xFFFFFFFF;
	(pc) =	sbr.abs _section_cstart, $3  }
0xbf: {  	[dreg:$0x1] =	wrdreg $0xFFFFFFFF  }
0xc0: {  	_ =	task.clear_ibuf [dreg:s6], $0x2FFFF;
	_ =	strace $0x9FFFFFFF  }
0xc1: {  	(tm) =	ssettm $0x7FFFFFFF  }
tec
execute0_lowered:
.L_overlay_start_1:
0x0: {  	(tag) =	ssettag $0x1  }
0x1: {  	s1 =	srdreg.scid  }
0x2: {  	s0 =	stileid.u32;
	s14 =	sand.u32 $0x1, s1  }
0x3: {  	s29 =	sshll.u32 s0, $0xA;
	s2 =	sshll.u32 s14, $0x9  }
0x4: {  	s15 =	rddreg [dreg:$0x0];
	s16 =	sor.u32 s2, s29  }
0x5: {  	s1 =	rddreg [dreg:$0x1];
	s2 =	simm.s32 $0x0;
	s3 =	sshrl.u32 s16, $0x3  }
0x6: {  	[smem:$0x7FF] =	sst s2;
	s3 =	sadd.s32 s3, s15  }
0x7: {  	_ =	strace $0x80000047;
	s4 =	sadd.s32 $0x3200, s3;
	s3 =	simm.s32 $0x2  }
0x8: {  	[tilespmem:s2], [sflag:$0x2] =	stream.linear.gather [hbm4b:s4+s2], $0x200, $0x38;
	[tilespmem:$0x10200] =	vst v63  }
0x9: {  	_ =	swait.ge [sflag:s3], $0x200  }
0xa: {  	s6 =	simm.s32 $0x80;
	[sflag:s3] =	ssyncset.done $0x0  }
0xb: {  	s7 =	simm.s32 $0x200;
	s5 =	sadd.s32 $0x3A00, s15;
	[sflag:s3] =	ssyncadd.s32 $0xFFFFFE00  }
0xc: {  	[tilespmem:s7], [sflag:$0x1] =	stream.indirect.gather [hbm4b:s5+s6], $0x80, s2, s6, $0xb8;
	[tilespmem:$0x10200] =	vst v63  }
0xd: {  	s8 =	simm.s32 $0x4200  }
0xe: {  	[tilespmem:s8], [sflag:$0x1] =	stream.indirect.gather [hbm4b:s5+s6], $0x80, s6, s6, $0xb8;
	[tilespmem:$0x10200] =	vst v63  }
0xf: {  	s9 =	simm.s32 $0x100;
	s10 =	simm.s32 $0x8200  }
0x10: {  	[tilespmem:s10], [sflag:$0x1] =	stream.indirect.gather [hbm4b:s5+s6], $0x80, s9, s6, $0xb8;
	[tilespmem:$0x10200] =	vst v63  }
0x11: {  	s11 =	simm.s32 $0x180;
	s12 =	simm.s32 $0xC200;
	s13 =	simm.s32 $0x1  }
0x12: {  	[tilespmem:s12], [sflag:$0x1] =	stream.indirect.gather [hbm4b:s5+s6], $0x80, s11, s6, $0xb8;
	[tilespmem:$0x10200] =	vst v63  }
0x13: {  	_ =	swait.ge [sflag:s13], $0x4000  }
0x14: {  	[sflag:s13] =	ssyncset.done $0x0  }
0x15: {  	[sflag:s13] =	ssyncadd.s32 $0xFFFFC000  }
0x16: {  	_ =	swait.ge [sflag:s13], $0x4000  }
0x17: {  	[sflag:s13] =	ssyncset.done $0x0  }
0x18: {  	s14 =	ssub.s32 $0x2, s14;
	[sflag:s13] =	ssyncadd.s32 $0xFFFFC000  }
0x19: {  	s17 =	sshrl.u32 s14, $0x1;
	_ =	swait.ge [sflag:s13], $0x4000  }
0x1a: {  	s30 =	ssub.s32 s14, s17;
	[sflag:s13] =	ssyncset.done $0x0  }
0x1b: {  	s31 =	smax.u32 s30, $0x1;
	[sflag:s13] =	ssyncadd.s32 $0xFFFFC000  }
0x1c: {  	s16 =	sshll.u32 s16, $0x4;
	p0 =	sne.s32 s31, $0x1;
	_ =	swait.ge [sflag:s13], $0x4000  }
.Ltmp0:
0x1d: {  	s15 =	sadd.s32 s16, s15;
	[sflag:s13] =	ssyncset.done $0x0;
	(pc) =	sbr.rel @!p0 .LBB2_2-.Ltmp0, $4  }
0x1e: {  	s14 =	sadd.s32 $0x3DBA00, s15;
	[sflag:s13] =	ssyncadd.s32 $0xFFFFC000  }
0x1f: {  	[hbm4b:s14+s2] =	stream.linear.scatter [tilespmem:s7], [sflag:$0x2], $0x10000, $0x38;
	[tilespmem:$0x10200] =	vst v63  }
0x20: {  	_ =	swait.ge [sflag:s3], $0x10000  }
0x21: {  	s15 =	sadd.s32 $0xFFFFFFFF, s31;
	[sflag:s3] =	ssyncset.done $0x0  }
.LBB2_1:
0x22: {  	p0 =	sne.s32 s15, $0x1;
	s15 =	sadd.s32 $0xFFFFFFFF, s15;
	[sflag:s3] =	ssyncadd.s32 $0xFFFF0000  }
0x23: {  	[tilespmem:s2], [sflag:$0x2] =	stream.linear.gather [hbm4b:s4+s2], $0x200, $0x38;
	[tilespmem:$0x10200] =	vst v63  }
0x24: {  	_ =	swait.ge [sflag:s3], $0x200  }
0x25: {  	[sflag:s3] =	ssyncset.done $0x0  }
0x26: {  	[sflag:s3] =	ssyncadd.s32 $0xFFFFFE00  }
0x27: {  	[tilespmem:s7], [sflag:$0x1] =	stream.indirect.gather [hbm4b:s5+s6], $0x80, s2, s6, $0xb8;
	[tilespmem:$0x10200] =	vst v63  }
0x28: {  	_ = 	snop  }
0x29: {  	[tilespmem:s8], [sflag:$0x1] =	stream.indirect.gather [hbm4b:s5+s6], $0x80, s6, s6, $0xb8;
	[tilespmem:$0x10200] =	vst v63  }
0x2a: {  	_ = 	snop  }
0x2b: {  	[tilespmem:s10], [sflag:$0x1] =	stream.indirect.gather [hbm4b:s5+s6], $0x80, s9, s6, $0xb8;
	[tilespmem:$0x10200] =	vst v63  }
0x2c: {  	_ = 	snop  }
0x2d: {  	[tilespmem:s12], [sflag:$0x1] =	stream.indirect.gather [hbm4b:s5+s6], $0x80, s11, s6, $0xb8;
	[tilespmem:$0x10200] =	vst v63  }
0x2e: {  	_ =	swait.ge [sflag:s13], $0x4000  }
0x2f: {  	[sflag:s13] =	ssyncset.done $0x0  }
0x30: {  	[sflag:s13] =	ssyncadd.s32 $0xFFFFC000  }
0x31: {  	_ =	swait.ge [sflag:s13], $0x4000  }
0x32: {  	[sflag:s13] =	ssyncset.done $0x0  }
0x33: {  	[sflag:s13] =	ssyncadd.s32 $0xFFFFC000  }
0x34: {  	_ =	swait.ge [sflag:s13], $0x4000  }
0x35: {  	[sflag:s13] =	ssyncset.done $0x0  }
0x36: {  	[sflag:s13] =	ssyncadd.s32 $0xFFFFC000  }
0x37: {  	_ =	swait.ge [sflag:s13], $0x4000  }
.Ltmp1:
0x38: {  	[sflag:s13] =	ssyncset.done $0x0;
	(pc) =	sbr.rel @p0 .LBB2_1-.Ltmp1, $4  }
0x39: {  	[sflag:s13] =	ssyncadd.s32 $0xFFFFC000  }
0x3a: {  	[hbm4b:s14+s2] =	stream.linear.scatter [tilespmem:s7], [sflag:$0x2], $0x10000, $0x38;
	[tilespmem:$0x10200] =	vst v63  }
0x3b: {  	_ =	swait.ge [sflag:s3], $0x10000  }
0x3c: {  	[sflag:s3] =	ssyncset.done $0x0  }
.LBB2_2:
0x3d: {  	[sflag:s3] =	ssyncadd.s32 $0xFFFF0000  }
0x3e: {  	_ =	sfence.sel $0x180000  }
0x3f: {  	[bflag:$0x0] =	sbarrier.arrive $0xFFFF  }
0x40: {  	p0 =	sne.s32 s0, $0x0;
	_ =	strace $0x90000047  }
0x41: {  	s0 =	sadd.s32 @!p0 $0x100000, s1;
	[bflag:$0x2] =	sbarrier.arrive $0xFFFF  }
0x42: {  	[sflag:s0] =	ssyncadd.tile.s32 @!p0 $0x1;
	_ =	shalt  }
.Lfunc_end2:
_tile_overlayer_lowered:
.L_overlay_start_2:
0x43: {  	(tag) =	ssettag $0x2  }
0x44: {  	s0 =	rddreg [dreg:$0x0];
	s2 =	stileid.u32  }
0x45: {  	s1 =	rddreg [dreg:$0x1];
	p0 =	sne.s32 s2, $0x0  }
0x46: {  	s3 =	rddreg [dreg:$0x2];
	[bflag:$0x3] =	sbarrier.arrive $0xFFFF;
	s2 =	simm.s32 @!p0 $0x1C02  }
0x47: {  	[timem:s3], [sflag:s2] =	dma.local @!p0 [hbm:s0], s1  }
0x48: {  	s0 =	simm.s32 @!p0 $0x2  }
0x49: {  	_ =	swait.ge @!p0 [sflag:s0], s1  }
0x4a: {  	s1 =	ssub.s32 @!p0 $0x0, s1;
	[sflag:s0] =	ssyncset.done @!p0 $0x0  }
0x4b: {  	[sflag:s0] =	ssyncadd.s32 @!p0 s1  }
0x4c: {  	[bflag:$0x3] =	sbarrier.arrive $0xFFFF  }
0x4d: {  	_ =	shalt  }

// kernel: kernel.7.cloned.1.call-start
scs
__scs_entry_jumppad:
0x0: {  	(pc) =	sbr.rel $0x88, $3  }
0x1: {  	(tag) =	ssettag $0x0;
	lr =	simm.s32 $0x1  }
0x2: {  	[smem:$0x3F93] =	sst lr;
	_ =	strace $0xD0000000  }
0x3: {  	_ = 	snop  }
0x4: {  	_ = 	snop  }
0x5: {  	_ = 	snop  }
0x6: {  	_ = 	snop  }
0x7: {  	_ = 	snop  }
__scs_overlays_trampoline_lowered:
0x8: {  	[smem:$0x3FA2] =	sst s0  }
0x9: {  	[smem:$0x3FA3] =	sst s1  }
0xa: {  	[smem:$0x3FA4] =	sst s2  }
0xb: {  	[smem:$0x3FA5] =	sst s3  }
0xc: {  	[smem:$0x3FA6] =	sst s4  }
0xd: {  	[smem:$0x3FA7] =	sst s5  }
0xe: {  	[smem:$0x3FA8] =	sst s6  }
0xf: {  	[smem:$0x3FA9] =	sst s7  }
0x10: {  	[smem:$0x3FAA] =	sst s8  }
0x11: {  	[smem:$0x3FAB] =	sst s9;
	s0 =	simm.s32 @!p0 $0x0  }
0x12: {  	s1 =	sld [smem:$0x3F91];
	s0 =	simm.s32 @p0 $0x1  }
0x13: {  	[smem:$0x3FAC] =	sst s0;
	s0 =	simm.s32 @!p1 $0x0  }
0x14: {  	s2 =	sld [smem:$0x3F90];
	s0 =	simm.s32 @p1 $0x1  }
0x15: {  	[smem:$0x3FAD] =	sst s0;
	s0 =	simm.s32 @!p2 $0x0  }
0x16: {  	s3 =	sld [smem:$0x3FDB];
	s0 =	simm.s32 @p2 $0x1  }
0x17: {  	s4 =	simm.s32 $0x1BF5;
	[smem:$0x3FAF] =	sst s0  }
0x18: {  	s0 =	sld [smem:$0x3F92];
	_ =	swait.ge [sflag:s4], $0x0  }
0x19: {  	s7 =	sld [smem:$0x3F93]  }
0x1a: {  	s8 =	sadd.s32 $0xFFFFE003, lr  }
0x1b: {  	s9 =	sadd.s32 $0xFFFFFEF7, lr;
	s5 =	simm.s32 $0xFFFFFFFF;
	p2 =	slt.u32 s8, $0xFFFFF086  }
0x1c: {  	p1 =	slt.u32 s9, $0xF7A;
	s5 =	simm.s32 @!p2 $0x0  }
0x1d: {  	s5 =	simm.s32 @p1 $0x1;
	p0 =	seq.s32 s7, s2  }
0x1e: {  	s7 =	smul.u32 @!p0 $0xF7A, s2;
	p2 =	seq.s32 @!p0 s5, $0x0  }
0x1f: {  	s9 =	smul.u32 $0xF7A, s1;
	s8 =	simm.s32 @!p0 $0x1BF5;
	p2 =	por !p2, p0  }
0x20: {  	[sflag:s8] =	ssyncset.s32 @!p0 $0xFFFFF086;
	s6 =	sadd.s32 @!p0 s3, s7;
	s7 =	simm.s32 @!p0 $0x108  }
0x21: {  	s3 =	sadd.s32 s3, s9;
	s6 =	sadd.s32 @!p0 $0x88, s6;
	s7 =	simm.s32 @p2 $0x1082  }
0x22: {  	[simem:s7], [sflag:s8] =	dma.local @!p0 [hbm:s6], $0xF7A  }
0x23: {  	s9 =	sor.u32 $0xD0000000, s2;
	s6 =	simm.s32 $0x108;
	_ =	swait.ge @!p0 [sflag:s8], $0x0  }
0x24: {  	s3 =	sadd.s32 $0x88, s3;
	s6 =	simm.s32 @!p1 $0x1082;
	[sflag:s4] =	ssyncset.s32 $0xFFFFF086  }
0x25: {  	[simem:s6], [sflag:s4] =	dma.local [hbm:s3], $0xF7A  }
0x26: {  	[smem:$0x3F93] =	sst s1;
	(tag) =	ssettag s2;
	_ =	strace s9  }
0x27: {  	s1 =	sld [smem:$0x3FA3]  }
0x28: {  	s2 =	sld [smem:$0x3FA4]  }
0x29: {  	s4 =	sld [smem:$0x3FA6]  }
0x2a: {  	p0 =	seq.s32 s5, $0x0;
	s5 =	sld [smem:$0x3FA7]  }
0x2b: {  	s6 =	sld [smem:$0x3FA8]  }
0x2c: {  	s7 =	sld [smem:$0x3FA9]  }
0x2d: {  	s3 =	simm.s32 $0x108;
	s8 =	sld [smem:$0x3FAA]  }
0x2e: {  	s3 =	simm.s32 @!p0 $0x1082;
	s9 =	sld [smem:$0x3FAB]  }
0x2f: {  	lr =	sadd.s32 s0, s3;
	s0 =	sld [smem:$0x3FA2]  }
0x30: {  	s3 =	sld [smem:$0x3FA5]  }
0x31: {  	[smem:$0x3FAE] =	sst s10  }
0x32: {  	s10 =	sld [smem:$0x3FAC];
	_ =	sdelay $0x3  }
0x33: {  	p0 =	seq.s32 s10, $0x1;
	s10 =	sld [smem:$0x3FAE];
	_ =	sdelay $0x3  }
0x34: {  	[smem:$0x3FAE] =	sst s10  }
0x35: {  	s10 =	sld [smem:$0x3FAD];
	_ =	sdelay $0x3  }
0x36: {  	p1 =	seq.s32 s10, $0x1;
	s10 =	sld [smem:$0x3FAE];
	_ =	sdelay $0x3  }
0x37: {  	[smem:$0x3FAE] =	sst s10  }
0x38: {  	s10 =	sld [smem:$0x3FAF]  }
0x39: {  	_ = 	snop;
	(pc) =	sbr.ind lr, $3  }
0x3a: {  	_ = 	snop  }
0x3b: {  	_ = 	snop  }
0x3c: {  	p2 =	seq.s32 s10, $0x1;
	s10 =	sld [smem:$0x3FAE]  }
0x3d: {  	_ =	shalt  }
0x3e: {  	_ =	shalt  }
0x3f: {  	_ =	shalt  }
0x40: {  	_ =	shalt  }
0x41: {  	_ =	shalt  }
0x42: {  	_ =	shalt  }
0x43: {  	_ =	shalt  }
0x44: {  	_ =	shalt  }
0x45: {  	_ =	shalt  }
0x46: {  	_ =	shalt  }
0x47: {  	_ =	shalt  }
0x48: {  	_ =	shalt  }
0x49: {  	_ =	shalt  }
0x4a: {  	_ =	shalt  }
0x4b: {  	_ =	shalt  }
0x4c: {  	_ =	shalt  }
0x4d: {  	_ =	shalt  }
0x4e: {  	_ =	shalt  }
0x4f: {  	_ =	shalt  }
0x50: {  	_ =	shalt  }
0x51: {  	_ =	shalt  }
0x52: {  	_ =	shalt  }
0x53: {  	_ =	shalt  }
0x54: {  	_ =	shalt  }
0x55: {  	_ =	shalt  }
0x56: {  	_ =	shalt  }
0x57: {  	_ =	shalt  }
0x58: {  	_ =	shalt  }
0x59: {  	_ =	shalt  }
0x5a: {  	_ =	shalt  }
0x5b: {  	_ =	shalt  }
0x5c: {  	_ =	shalt  }
0x5d: {  	_ =	shalt  }
0x5e: {  	_ =	shalt  }
0x5f: {  	_ =	shalt  }
0x60: {  	_ =	shalt  }
0x61: {  	_ =	shalt  }
0x62: {  	_ =	shalt  }
0x63: {  	_ =	shalt  }
0x64: {  	_ =	shalt  }
0x65: {  	_ =	shalt  }
0x66: {  	_ =	shalt  }
0x67: {  	_ =	shalt  }
0x68: {  	_ =	shalt  }
0x69: {  	_ =	shalt  }
0x6a: {  	_ =	shalt  }
0x6b: {  	_ =	shalt  }
0x6c: {  	_ =	shalt  }
0x6d: {  	_ =	shalt  }
0x6e: {  	_ =	shalt  }
0x6f: {  	_ =	shalt  }
0x70: {  	_ =	shalt  }
0x71: {  	_ =	shalt  }
0x72: {  	_ =	shalt  }
0x73: {  	_ =	shalt  }
0x74: {  	_ =	shalt  }
0x75: {  	_ =	shalt  }
0x76: {  	_ =	shalt  }
0x77: {  	_ =	shalt  }
0x78: {  	_ =	shalt  }
0x79: {  	_ =	shalt  }
0x7a: {  	_ =	shalt  }
0x7b: {  	_ =	shalt  }
0x7c: {  	_ =	shalt  }
0x7d: {  	_ =	shalt  }
0x7e: {  	_ =	shalt  }
0x7f: {  	_ =	shalt  }
0x80: {  	_ =	shalt  }
0x81: {  	_ =	shalt  }
0x82: {  	_ =	shalt  }
0x83: {  	_ =	shalt  }
0x84: {  	_ =	shalt  }
0x85: {  	_ =	shalt  }
0x86: {  	_ =	shalt  }
0x87: {  	_ =	shalt  }
.Lfunc_end0:
.L_simem_size_0:
called_computation_lowered:
.L_overlay_start_0:
0x88: {  	s2 =	sld [smem:$0x3FD9]  }
0x89: {  	s3 =	sld [smem:$0x3FFE];
	_ =	sdelay $0x1  }
0x8a: {  	s1 =	srdreg.scid  }
0x8b: {  	s0 =	sand.u32 $0x1, s1  }
0x8c: {  	s15 =	sshll.u32 s0, $0xA;
	s2 =	sadd.s32 s3, s2  }
0x8d: {  	s2 =	sadd.s32 s2, s15  }
0x8e: {  	[smem:$0x3FBA] =	sst s2  }
0x8f: {  	_ = 	snop  }
0x90: {  	s2 =	sld [smem:$0x3FD0];
	_ =	sdelay $0x2  }
0x91: {  	s16 =	simm.s32 $0xB;
	s4 =	simm.s32 $0x10  }
0x92: {  	[smem:s4], [sflag:s16] =	dma.local [hbm:s2], $0x1  }
0x93: {  	_ =	swait.eq [sflag:s16], $0x1  }
0x94: {  	[sflag:s16] =	ssyncset.done $0x0  }
0x95: {  	[sflag:s16] =	ssyncadd.s32 $0xFFFFFFFF  }
0x96: {  	s17 =	sld [smem:$0x11];
	(tm) =	ssettm $0x1  }
0x97: {  	s18 =	sld [smem:$0x3FFB];
	_ =	sdelay $0x3  }
0x98: {  	_ =	strace s18  }
0x99: {  	s2 =	sld [smem:$0x3FFC];
	_ =	sdelay $0x3  }
0x9a: {  	_ =	strace s2  }
0x9b: {  	s2 =	sld [smem:$0x3FFD];
	_ =	sdelay $0x3  }
0x9c: {  	_ =	strace s2  }
0x9d: {  	_ =	strace $0x8FFFFFFF  }
0x9e: {  	s19 =	sld [smem:$0x3FDB];
	_ =	sdelay $0x1  }
0x9f: {  	s20 =	simm.s32 $_scs_section_size  }
0xa0: {  	s5 =	simm.s32 $_size__tile_overlayer_lowered;
	s6 =	simm.s32 $_tile_overlayer_lowered  }
0xa1: {  	s7 =	simm.s32 $0x1BFF;
	s21 =	sshll.u32 s6, $0x1;
	s4 =	sadd.s32 s20, s19  }
0xa2: {  	s22 =	simm.s32 $0x0;
	s5 =	sshll.u32 s5, $0x1;
	s6 =	sadd.s32 s21, s4  }
0xa3: {  	[timem:s22], [sflag:s7] =	dma.local [hbm:s6], s5  }
0xa4: {  	_ =	swait.ge [sflag:s7], s5  }
0xa5: {  	s5 =	ssub.s32 $0x0, s5;
	[sflag:s7] =	ssyncset.done $0x0  }
0xa6: {  	[sflag:s7] =	ssyncadd.s32 s5;
	_ =	sdelay $0x1  }
0xa7: {  	s23 =	simm.s32 $0x1B8B  }
0xa8: {  	_ =	swait.ge [sflag:s23], $0x1  }
0xa9: {  	[sflag:s23] =	ssyncset.done $0x0  }
0xaa: {  	[sflag:s23] =	ssyncadd.s32 $0xFFFFFFFF  }
0xab: {  	s5 =	sld [smem:$0x0]  }
0xac: {  	s6 =	sand.u32 $0xFFFFFFFE, s1  }
0xad: {  	p0 =	sne.s32 s1, s6  }
0xae: {  	s6 =	sshll.u32 @p0 s6, $0xE  }
0xaf: {  	s6 =	sadd.s32 @p0 $0x11B8D, s6;
	s7 =	sshll.u32 @p0 s5, $0x11  }
0xb0: {  	s6 =	sor.u32 @p0 s7, s6  }
0xb1: {  	[sflag:s6] =	ssyncadd.remote.s32 @p0 $0x1;
	_ =	sdelay $0x1  }
0xb2: {  	s6 =	simm.s32 @p0 $0x1B8D  }
0xb3: {  	_ =	swait.eq @p0 [sflag:s6], $0x1  }
0xb4: {  	[sflag:s6] =	ssyncadd.s32 @p0 $0xFFFFFFFF  }
0xb5: {  	s7 =	sshll.u32 @!p0 s1, $0xE  }
0xb6: {  	s7 =	sor.u32 @!p0 $0x4000, s7;
	s6 =	simm.s32 @!p0 $0x1B8D  }
0xb7: {  	s5 =	sshll.u32 @!p0 s5, $0x11;
	s7 =	sadd.s32 @!p0 $0x11B8D, s7;
	_ =	swait.eq @!p0 [sflag:s6], $0x1  }
0xb8: {  	s5 =	sor.u32 @!p0 s5, s7;
	[sflag:s6] =	ssyncadd.s32 @!p0 $0xFFFFFFFF  }
0xb9: {  	s25 =	simm.s32 $0x1B8E;
	s24 =	sld [smem:$0x3FFE];
	[sflag:s5] =	ssyncadd.remote.s32 @!p0 $0x1  }
0xba: {  	s26 =	simm.s32 $execute0_lowered;
	[smem:$0x3FD2] =	sst s25  }
0xbb: {  	s6 =	sshll.u32 s26, $0x1;
	_ =	strace $0x80000049;
	[dreg:$0x1] =	wrdreg $0xFFFFFFFF  }
0xbc: {  	s28 =	simm.s32 $_size_execute0_lowered;
	s4 =	sadd.s32 s4, s6;
	[dreg:$0x0] =	wrdreg $0x0  }
0xbd: {  	s6 =	sshll.u32 s28, $0x1;
	[dreg:$0x2] =	wrdreg s4  }
0xbe: {  	[dreg:$0x3] =	wrdreg s6  }
0xbf: {  	[dreg:$0x4] =	wrdreg $0xC0  }
0xc0: {  	_ =	task [dreg:s22], $0x5FFFF  }
0xc1: {  	[dreg:$0x1] =	wrdreg $0xFFFFFFFF  }
0xc2: {  	[dreg:$0x0] =	wrdreg $0x60  }
0xc3: {  	[dreg:$0x2] =	wrdreg s24  }
0xc4: {  	[dreg:$0x3] =	wrdreg s17  }
0xc5: {  	[dreg:$0x4] =	wrdreg $0x9  }
0xc6: {  	_ =	task.clear_ibuf [dreg:s22], $0x5FFFF;
	_ =	strace $0x90000049  }
0xc7: {  	s29 =	simm.s32 $0x9;
	_ =	strace $0x8000004B  }
0xc8: {  	_ =	swait.ge [sflag:s29], $0x1  }
0xc9: {  	[sflag:s29] =	ssyncadd.s32 $0xFFFFFFFF  }
0xca: {  	_ =	strace $0x9000004B  }
0xcb: {  	_ =	sfence  }
0xcc: {  	s30 =	sld [smem:$0x0];
	_ =	sdelay $0x2  }
0xcd: {  	s31 =	sshll.u32 s1, $0xD;
	s1 =	sshrl.u32 s1, $0x2  }
0xce: {  	s4 =	sand.u32 $0x4000, s31;
	s1 =	sadd.s32 s1, s30  }
0xcf: {  	s0 =	sor.u32 s4, s0;
	s1 =	sshll.u32 s1, $0x11  }
0xd0: {  	s0 =	sor.u32 s1, s0  }
0xd1: {  	s0 =	sadd.s32 $0x8F2B, s0  }
0xd2: {  	[sflag:s0] =	ssyncadd.remote.s32 $0x1  }
0xd3: {  	_ =	sfence.sel $0xFFFF  }
0xd4: {  	[dreg:$0x0] =	wrdreg $0xFFFFFFFF;
	(pc) =	sbr.abs _section_cstart, $3  }
0xd5: {  	[dreg:$0x1] =	wrdreg $0xFFFFFFFF  }
0xd6: {  	_ =	task.clear_ibuf [dreg:s22], $0x2FFFF;
	_ =	strace $0x9FFFFFFF  }
0xd7: {  	(tm) =	ssettm $0x7FFFFFFF  }
tec
execute0_lowered:
.L_overlay_start_1:
0x0: {  	(tag) =	ssettag $0x1  }
0x1: {  	s1 =	srdreg.scid  }
0x2: {  	s14 =	rddreg [dreg:$0x0];
	s0 =	stileid.u32;
	s15 =	sand.u32 $0x1, s1  }
0x3: {  	s3 =	rddreg [dreg:$0x1];
	s4 =	sshll.u32 s0, $0xA;
	s5 =	sshll.u32 s15, $0x9  }
0x4: {  	s2 =	simm.s32 $0x0;
	s1 =	rddreg [dreg:$0x2];
	s16 =	sor.u32 s5, s4  }
0x5: {  	[smem:$0x7FF] =	sst s2;
	s4 =	sshrl.u32 s16, $0x3  }
0x6: {  	_ =	strace $0x8000004A;
	s4 =	sadd.s32 s3, s4;
	s3 =	simm.s32 $0x2  }
0x7: {  	[tilespmem:s2], [sflag:$0x2] =	stream.linear.gather [hbm4b:s4+s2], $0x200, $0x38;
	[tilespmem:$0x10200] =	vst v63  }
0x8: {  	_ =	swait.ge [sflag:s3], $0x200  }
0x9: {  	s6 =	simm.s32 $0x80;
	[sflag:s3] =	ssyncset.done $0x0  }
0xa: {  	s7 =	simm.s32 $0x200;
	s5 =	sadd.s32 $0x41BA00, s14;
	[sflag:s3] =	ssyncadd.s32 $0xFFFFFE00  }
0xb: {  	[tilespmem:s7], [sflag:$0x1] =	stream.indirect.gather [hbm4b:s5+s6], $0x80, s2, s6, $0xb8;
	[tilespmem:$0x10200] =	vst v63  }
0xc: {  	s8 =	simm.s32 $0x4200  }
0xd: {  	[tilespmem:s8], [sflag:$0x1] =	stream.indirect.gather [hbm4b:s5+s6], $0x80, s6, s6, $0xb8;
	[tilespmem:$0x10200] =	vst v63  }
0xe: {  	s9 =	simm.s32 $0x100;
	s10 =	simm.s32 $0x8200  }
0xf: {  	[tilespmem:s10], [sflag:$0x1] =	stream.indirect.gather [hbm4b:s5+s6], $0x80, s9, s6, $0xb8;
	[tilespmem:$0x10200] =	vst v63  }
0x10: {  	s11 =	simm.s32 $0x180;
	s12 =	simm.s32 $0xC200;
	s13 =	simm.s32 $0x1  }
0x11: {  	[tilespmem:s12], [sflag:$0x1] =	stream.indirect.gather [hbm4b:s5+s6], $0x80, s11, s6, $0xb8;
	[tilespmem:$0x10200] =	vst v63  }
0x12: {  	_ =	swait.ge [sflag:s13], $0x4000  }
0x13: {  	[sflag:s13] =	ssyncset.done $0x0  }
0x14: {  	[sflag:s13] =	ssyncadd.s32 $0xFFFFC000  }
0x15: {  	_ =	swait.ge [sflag:s13], $0x4000  }
0x16: {  	[sflag:s13] =	ssyncset.done $0x0  }
0x17: {  	s15 =	ssub.s32 $0x2, s15;
	[sflag:s13] =	ssyncadd.s32 $0xFFFFC000  }
0x18: {  	s17 =	sshrl.u32 s15, $0x1;
	_ =	swait.ge [sflag:s13], $0x4000  }
0x19: {  	s15 =	ssub.s32 s15, s17;
	[sflag:s13] =	ssyncset.done $0x0  }
0x1a: {  	s15 =	smax.u32 s15, $0x1;
	[sflag:s13] =	ssyncadd.s32 $0xFFFFC000  }
0x1b: {  	s16 =	sshll.u32 s16, $0x4;
	p0 =	sne.s32 s15, $0x1;
	_ =	swait.ge [sflag:s13], $0x4000  }
.Ltmp0:
0x1c: {  	s14 =	sadd.s32 s16, s14;
	[sflag:s13] =	ssyncset.done $0x0;
	(pc) =	sbr.rel @!p0 .LBB2_2-.Ltmp0, $4  }
0x1d: {  	s14 =	sadd.s32 $0x7F3A00, s14;
	[sflag:s13] =	ssyncadd.s32 $0xFFFFC000  }
0x1e: {  	[hbm4b:s14+s2] =	stream.linear.scatter [tilespmem:s7], [sflag:$0x2], $0x10000, $0x38;
	[tilespmem:$0x10200] =	vst v63  }
0x1f: {  	_ =	swait.ge [sflag:s3], $0x10000  }
0x20: {  	s15 =	sadd.s32 $0xFFFFFFFF, s15;
	[sflag:s3] =	ssyncset.done $0x0  }
.LBB2_1:
0x21: {  	p0 =	sne.s32 s15, $0x1;
	s15 =	sadd.s32 $0xFFFFFFFF, s15;
	[sflag:s3] =	ssyncadd.s32 $0xFFFF0000  }
0x22: {  	[tilespmem:s2], [sflag:$0x2] =	stream.linear.gather [hbm4b:s4+s2], $0x200, $0x38;
	[tilespmem:$0x10200] =	vst v63  }
0x23: {  	_ =	swait.ge [sflag:s3], $0x200  }
0x24: {  	[sflag:s3] =	ssyncset.done $0x0  }
0x25: {  	[sflag:s3] =	ssyncadd.s32 $0xFFFFFE00  }
0x26: {  	[tilespmem:s7], [sflag:$0x1] =	stream.indirect.gather [hbm4b:s5+s6], $0x80, s2, s6, $0xb8;
	[tilespmem:$0x10200] =	vst v63  }
0x27: {  	_ = 	snop  }
0x28: {  	[tilespmem:s8], [sflag:$0x1] =	stream.indirect.gather [hbm4b:s5+s6], $0x80, s6, s6, $0xb8;
	[tilespmem:$0x10200] =	vst v63  }
0x29: {  	_ = 	snop  }
0x2a: {  	[tilespmem:s10], [sflag:$0x1] =	stream.indirect.gather [hbm4b:s5+s6], $0x80, s9, s6, $0xb8;
	[tilespmem:$0x10200] =	vst v63  }
0x2b: {  	_ = 	snop  }
0x2c: {  	[tilespmem:s12], [sflag:$0x1] =	stream.indirect.gather [hbm4b:s5+s6], $0x80, s11, s6, $0xb8;
	[tilespmem:$0x10200] =	vst v63  }
0x2d: {  	_ =	swait.ge [sflag:s13], $0x4000  }
0x2e: {  	[sflag:s13] =	ssyncset.done $0x0  }
0x2f: {  	[sflag:s13] =	ssyncadd.s32 $0xFFFFC000  }
0x30: {  	_ =	swait.ge [sflag:s13], $0x4000  }
0x31: {  	[sflag:s13] =	ssyncset.done $0x0  }
0x32: {  	[sflag:s13] =	ssyncadd.s32 $0xFFFFC000  }
0x33: {  	_ =	swait.ge [sflag:s13], $0x4000  }
0x34: {  	[sflag:s13] =	ssyncset.done $0x0  }
0x35: {  	[sflag:s13] =	ssyncadd.s32 $0xFFFFC000  }
0x36: {  	_ =	swait.ge [sflag:s13], $0x4000  }
.Ltmp1:
0x37: {  	[sflag:s13] =	ssyncset.done $0x0;
	(pc) =	sbr.rel @p0 .LBB2_1-.Ltmp1, $4  }
0x38: {  	[sflag:s13] =	ssyncadd.s32 $0xFFFFC000  }
0x39: {  	[hbm4b:s14+s2] =	stream.linear.scatter [tilespmem:s7], [sflag:$0x2], $0x10000, $0x38;
	[tilespmem:$0x10200] =	vst v63  }
0x3a: {  	_ =	swait.ge [sflag:s3], $0x10000  }
0x3b: {  	[sflag:s3] =	ssyncset.done $0x0  }
.LBB2_2:
0x3c: {  	[sflag:s3] =	ssyncadd.s32 $0xFFFF0000  }
0x3d: {  	_ =	sfence.sel $0x180000  }
0x3e: {  	[bflag:$0x0] =	sbarrier.arrive $0xFFFF  }
0x3f: {  	p0 =	sne.s32 s0, $0x0;
	_ =	strace $0x9000004A  }
0x40: {  	s0 =	sadd.s32 @!p0 $0x100000, s1;
	[bflag:$0x2] =	sbarrier.arrive $0xFFFF  }
0x41: {  	[sflag:s0] =	ssyncadd.tile.s32 @!p0 $0x1;
	_ =	shalt  }
.Lfunc_end2:
_tile_overlayer_lowered:
.L_overlay_start_2:
0x42: {  	(tag) =	ssettag $0x2  }
0x43: {  	s0 =	rddreg [dreg:$0x0];
	s2 =	stileid.u32  }
0x44: {  	s1 =	rddreg [dreg:$0x1];
	p0 =	sne.s32 s2, $0x0  }
0x45: {  	s3 =	rddreg [dreg:$0x2];
	[bflag:$0x3] =	sbarrier.arrive $0xFFFF;
	s2 =	simm.s32 @!p0 $0x1C02  }
0x46: {  	[timem:s3], [sflag:s2] =	dma.local @!p0 [hbm:s0], s1  }
0x47: {  	s0 =	simm.s32 @!p0 $0x2  }
0x48: {  	_ =	swait.ge @!p0 [sflag:s0], s1  }
0x49: {  	s1 =	ssub.s32 @!p0 $0x0, s1;
	[sflag:s0] =	ssyncset.done @!p0 $0x0  }
0x4a: {  	[sflag:s0] =	ssyncadd.s32 @!p0 s1  }
0x4b: {  	[bflag:$0x3] =	sbarrier.arrive $0xFFFF  }
0x4c: {  	_ =	shalt  }

</sc_bundles>
